<compile_context>
chip_gen: v7x
topology: tpu7x:2x2x1
jax: 0.10.2.dev20260603
libtpu: 0.0.44.dev20260713+nightly
codegen_flags: <defaults>
</compile_context>

<pallas_src>
import functools

import jax
import jax.numpy as jnp
from jax import lax
from jax.experimental import pallas as pl
from jax.experimental.pallas import tpu as pltpu
from jax.experimental.pallas import tpu_sc as plsc

N = 8388608
TABLE_WORDS = 1 << 19
NC, NS, L = 2, 16, 16
NW = NC * NS
PER_W = N // NW
CHUNK = 2048
SUB = 128
NSUB = CHUNK // SUB
NCHUNK = PER_W // CHUNK
VEC_ITERS = CHUNK // L

_mesh = plsc.VectorSubcoreMesh(core_axis_name="c", subcore_axis_name="s")


def _c(v):
    return jnp.int32(v)


@functools.partial(
    pl.kernel,
    out_type=jax.ShapeDtypeStruct((N,), jnp.int32),
    mesh=_mesh,
    scratch_types=[
        pltpu.VMEM_SHARED((TABLE_WORDS,), jnp.int32),
        pltpu.VMEM((2 * CHUNK,), jnp.int32),
        pltpu.VMEM((CHUNK,), jnp.int32),
        pltpu.VMEM((CHUNK,), jnp.int32),
        pltpu.VMEM((CHUNK,), jnp.int32),
        pltpu.VMEM((CHUNK,), jnp.int32),
        pltpu.SemaphoreType.DMA,
    ],
    compiler_params=pltpu.CompilerParams(needs_layout_passes=False),
)
def _lcg_probe(x2_hbm, table_hbm, out_hbm, table_sp, in_buf, widx_buf,
               bpos_buf, words_buf, out_buf, sem):
    cid = lax.axis_index("c")
    sid = lax.axis_index("s")
    wid = sid * _c(NC) + cid

    @pl.when(sid == 0)
    def _():
        pltpu.sync_copy(table_hbm, table_sp)

    plsc.subcore_barrier()

    iota = lax.broadcasted_iota(jnp.int32, (L,), 0)
    base_w = wid * _c(PER_W)

    def chunk_body(g, carry):
        base = base_w + g * _c(CHUNK)
        pltpu.sync_copy(x2_hbm.at[pl.ds(base * _c(2), 2 * CHUNK)], in_buf)

        def vec1(i, c):
            rows = (iota + i * _c(L)) * _c(2) + _c(1)
            h = plsc.load_gather(in_buf, [rows])
            widx_buf[pl.ds(i * _c(L), L)] = lax.shift_right_logical(h, _c(12))
            bpos_buf[pl.ds(i * _c(L), L)] = (
                lax.shift_right_logical(h, _c(7)) & _c(31))
            return c

        lax.fori_loop(_c(0), _c(VEC_ITERS), vec1, _c(0))

        copies = []
        for j in range(NSUB):
            idx = widx_buf.at[pl.ds(j * SUB, SUB)]
            copies.append(pltpu.async_copy(
                table_sp.at[idx], words_buf.at[pl.ds(j * SUB, SUB)], sem))
        for c in copies:
            c.wait()

        def vec2(i, c):
            sl = pl.ds(i * _c(L), L)
            w = words_buf[sl]
            bp = bpos_buf[sl]
            out_buf[sl] = lax.shift_right_logical(w, bp) & _c(1)
            return c

        lax.fori_loop(_c(0), _c(VEC_ITERS), vec2, _c(0))
        pltpu.sync_copy(out_buf, out_hbm.at[pl.ds(base, CHUNK)])
        return carry

    lax.fori_loop(_c(0), _c(NCHUNK), chunk_body, _c(0))


def kernel(binary_set, x, is_training, test_local_stats):
    x2 = lax.bitcast_convert_type(x, jnp.int32).reshape(2 * N)
    table = lax.bitcast_convert_type(
        binary_set.reshape(TABLE_WORDS, 4), jnp.int32)
    out = _lcg_probe(x2, table)
    return out.astype(jnp.bool_)

# --- scband reference (transcript-rebuilt; emitter-appended) ---
"""Pipeline reference for scband-lcghash-87041807221225 (READ-ONLY COPY).

The authoritative reference and input builder live on the scoring server;
editing this copy changes nothing except your own understanding.
"""

import jax, jax.numpy as jnp
import numpy as np

jax.config.update('jax_enable_x64', True)

BITS_PER_HASH = 24
N = 8388608


def setup_inputs(seed: int = 0) -> dict:
    key = jax.random.key(seed)
    k1, k2 = jax.random.split(key)
    # build 63-bit hash inputs by combining two 31-bit randints so the
    # top (bits_per_hash) bits after the >> (63 - bits) shift are populated
    hi = jax.random.randint(k1, (N,), 0, 2147483647, dtype=jnp.int64)
    lo = jax.random.randint(k2, (N,), 0, 2147483647, dtype=jnp.int64)
    x = (hi << 32) | lo
    # haiku state: binary_set uint8[2**(bits_per_hash-3)], init Constant(0)
    binary_set = jnp.zeros((2 ** (BITS_PER_HASH - 3),), dtype=jnp.uint8)
    return {'binary_set': binary_set, 'x': x, 'is_training': True, 'test_local_stats': False}


def reference(binary_set, x, is_training, test_local_stats):
    # get_indices: x is 1-D so the while-loop reduction is skipped
    xu = jnp.asarray(x, dtype=jnp.uint64)
    indices = xu >> (63 - BITS_PER_HASH)
    byte_indices = indices // jnp.uint64(8)
    bit_indices = indices % jnp.uint64(8)
    # __call__: gather bytes from the bitset and test the bit
    bytes_from_set = binary_set[byte_indices]
    seen = (bytes_from_set & (jnp.uint64(1) << bit_indices)) > 0
    return seen

if __name__ == "__main__":
    import jax
    _d = setup_inputs()
    print(jax.jit(kernel)(*tuple(_d.values())))

</pallas_src>

<mosaic_0001>
#map = affine_map<(d0, d1) -> (0)>
module attributes {stable_mosaic.version = 14 : i64} {
  func.func @_lcg_probe(%arg0: i32, %arg1: i32, %arg2: memref<16777216xi32, #tpu.memory_space<hbm>>, %arg3: memref<524288xi32, #tpu.memory_space<hbm>>, %arg4: memref<8388608xi32, #tpu.memory_space<hbm>>, %arg5: memref<524288xi32, #tpu.memory_space<vmem_shared>>, %arg6: memref<4096xi32, #tpu.memory_space<vmem>>, %arg7: memref<2048xi32, #tpu.memory_space<vmem>>, %arg8: memref<2048xi32, #tpu.memory_space<vmem>>, %arg9: memref<2048xi32, #tpu.memory_space<vmem>>, %arg10: memref<2048xi32, #tpu.memory_space<vmem>>, %arg11: memref<!tpu.dma_semaphore, #tpu.memory_space<semaphore_mem>>) attributes {dimension_semantics = [#tpu.dimension_semantics<core_parallel>, #tpu.dimension_semantics<subcore_parallel>], iteration_bounds = array<i64: 2, 16>, scalar_prefetch = 0 : i64, scratch_operands = 7 : i64, tpu.core_type = #tpu.core_type<sc_vector_subcore>, window_params = [{transform_indices = #map}, {transform_indices = #map}, {transform_indices = #map}]} {
    %mul3A = arith.constant 2 : i32
    %mul3A_0 = arith.muli %arg1, %mul3A : i32
    %add3A = arith.addi %mul3A_0, %arg0 : i32
    %eq3A = arith.constant 0 : i32
    %eq3A_1 = arith.cmpi eq, %arg1, %eq3A : i32
    %convert_element_type3A = arith.extui %eq3A_1 : i1 to i32
    %cond3A = arith.constant 0 : i32
    %cond3A_2 = arith.cmpi ne, %convert_element_type3A, %cond3A : i32
    scf.if %cond3A_2 {
      "tpu.region"() ({
        %run_scoped3A = tpu.sem_alloc : memref<!tpu.dma_semaphore, #tpu.memory_space<semaphore_mem>>
        tpu.enqueue_dma source(%arg3 : memref<524288xi32, #tpu.memory_space<hbm>>) target(%arg5 : memref<524288xi32, #tpu.memory_space<vmem_shared>>) target_semaphore(%run_scoped3A : memref<!tpu.dma_semaphore, #tpu.memory_space<semaphore_mem>>)
        tpu.wait_dma2 semaphore(%run_scoped3A : memref<!tpu.dma_semaphore, #tpu.memory_space<semaphore_mem>>) src(%arg3 : memref<524288xi32, #tpu.memory_space<hbm>>) dst(%arg5 : memref<524288xi32, #tpu.memory_space<vmem_shared>>)
        tpu.yield
      }) : () -> ()
    } else {
    }
    %barrier3A = arith.constant 0 : index
    tpu.barrier barrier_id(%barrier3A)
    %iota3A = tpu.iota {dimensions = array<i32: 0>} : vector<16xi32>
    %mul3A_3 = arith.constant 262144 : i32
    %mul3A_4 = arith.muli %add3A, %mul3A_3 : i32
    %while3A = arith.constant 0 : i32
    %while3A_5 = arith.constant 0 : i32
    %while3A_6 = arith.constant 128 : i32
    %while3A_7 = arith.subi %while3A_6, %while3A_5 : i32
    %while3A_8 = arith.addi %while3A_5, %while3A_7 : i32
    %while3A_9 = arith.constant 1 : i32
    %while3A_10 = arith.divsi %while3A_7, %while3A_9 : i32
    %while3A_11 = arith.muli %while3A_10, %while3A_9 : i32
    %while3A_12 = arith.addi %while3A_5, %while3A_11 : i32
    %while3A_13 = arith.constant 1 : i32
    scf.for %while3A_15 = %while3A_5 to %while3A_12 step %while3A_13  : i32 {
      %mul3A_16 = arith.constant 2048 : i32
      %mul3A_17 = arith.muli %while3A_15, %mul3A_16 : i32
      %add3A_18 = arith.addi %mul3A_4, %mul3A_17 : i32
      %mul3A_19 = arith.constant 2 : i32
      %mul3A_20 = arith.muli %add3A_18, %mul3A_19 : i32
      "tpu.region"() ({
        %run_scoped3A = tpu.sem_alloc : memref<!tpu.dma_semaphore, #tpu.memory_space<semaphore_mem>>
        %dma_start3A_233 = tpu.memref_slice %arg2[%mul3A_20] : memref<16777216xi32, #tpu.memory_space<hbm>> -> memref<4096xi32, #tpu.memory_space<hbm>>
        %dma_start3A_234 = tpu.memref_slice %arg2[%mul3A_20] : memref<16777216xi32, #tpu.memory_space<hbm>> -> memref<4096xi32, #tpu.memory_space<hbm>>
        tpu.enqueue_dma source(%dma_start3A_234 : memref<4096xi32, #tpu.memory_space<hbm>>) target(%arg6 : memref<4096xi32, #tpu.memory_space<vmem>>) target_semaphore(%run_scoped3A : memref<!tpu.dma_semaphore, #tpu.memory_space<semaphore_mem>>)
        %dma_wait3A_235 = tpu.memref_slice %arg2[%mul3A_20] : memref<16777216xi32, #tpu.memory_space<hbm>> -> memref<4096xi32, #tpu.memory_space<hbm>>
        %dma_wait3A_236 = tpu.memref_slice %arg2[%mul3A_20] : memref<16777216xi32, #tpu.memory_space<hbm>> -> memref<4096xi32, #tpu.memory_space<hbm>>
        tpu.wait_dma2 semaphore(%run_scoped3A : memref<!tpu.dma_semaphore, #tpu.memory_space<semaphore_mem>>) src(%dma_wait3A_236 : memref<4096xi32, #tpu.memory_space<hbm>>) dst(%arg6 : memref<4096xi32, #tpu.memory_space<vmem>>)
        tpu.yield
      }) : () -> ()
      %while3A_21 = arith.constant 0 : i32
      %while3A_22 = arith.constant 0 : i32
      %while3A_23 = arith.constant 128 : i32
      %while3A_24 = arith.subi %while3A_23, %while3A_22 : i32
      %while3A_25 = arith.addi %while3A_22, %while3A_24 : i32
      %while3A_26 = arith.constant 1 : i32
      %while3A_27 = arith.divsi %while3A_24, %while3A_26 : i32
      %while3A_28 = arith.muli %while3A_27, %while3A_26 : i32
      %while3A_29 = arith.addi %while3A_22, %while3A_28 : i32
      %while3A_30 = arith.constant 1 : i32
      scf.for %while3A_233 = %while3A_22 to %while3A_29 step %while3A_30  : i32 {
        %mul3A_234 = arith.constant 16 : i32
        %mul3A_235 = arith.muli %while3A_233, %mul3A_234 : i32
        %add3A_236 = vector.broadcast %mul3A_235 : i32 to vector<16xi32>
        %add3A_237 = arith.addi %iota3A, %add3A_236 : vector<16xi32>
        %mul3A_238 = arith.constant 2 : i32
        %mul3A_239 = vector.broadcast %mul3A_238 : i32 to vector<16xi32>
        %mul3A_240 = arith.muli %add3A_237, %mul3A_239 : vector<16xi32>
        %add3A_241 = arith.constant 1 : i32
        %add3A_242 = vector.broadcast %add3A_241 : i32 to vector<16xi32>
        %add3A_243 = arith.addi %mul3A_240, %add3A_242 : vector<16xi32>
        %gather3A = tpu.vector_load_idx %arg6[%add3A_243] : memref<4096xi32, #tpu.memory_space<vmem>>[vector<16xi32>], vector<16xi32>,
        %shift_right_logical3A = arith.constant 12 : i32
        %shift_right_logical3A_244 = vector.broadcast %shift_right_logical3A : i32 to vector<16xi32>
        %shift_right_logical3A_245 = arith.shrui %gather3A, %shift_right_logical3A_244 : vector<16xi32>
        %mul3A_246 = arith.constant 16 : i32
        %mul3A_247 = arith.muli %while3A_233, %mul3A_246 : i32
        %swap3A = arith.index_cast %mul3A_247 : i32 to index
        %swap3A_248 = tpu.vector_load %arg7[%swap3A] {strides = array<i32>} : memref<2048xi32, #tpu.memory_space<vmem>>, vector<16xi32>,
        tpu.vector_store %arg7[%swap3A], %shift_right_logical3A_245 {strides = array<i32>} : memref<2048xi32, #tpu.memory_space<vmem>>, vector<16xi32>,
        %shift_right_logical3A_249 = arith.constant 7 : i32
        %shift_right_logical3A_250 = vector.broadcast %shift_right_logical3A_249 : i32 to vector<16xi32>
        %shift_right_logical3A_251 = arith.shrui %gather3A, %shift_right_logical3A_250 : vector<16xi32>
        %and3A = arith.constant 31 : i32
        %and3A_252 = vector.broadcast %and3A : i32 to vector<16xi32>
        %and3A_253 = arith.andi %shift_right_logical3A_251, %and3A_252 : vector<16xi32>
        %mul3A_254 = arith.constant 16 : i32
        %mul3A_255 = arith.muli %while3A_233, %mul3A_254 : i32
        %swap3A_256 = arith.index_cast %mul3A_255 : i32 to index
        %swap3A_257 = tpu.vector_load %arg8[%swap3A_256] {strides = array<i32>} : memref<2048xi32, #tpu.memory_space<vmem>>, vector<16xi32>,
        tpu.vector_store %arg8[%swap3A_256], %and3A_253 {strides = array<i32>} : memref<2048xi32, #tpu.memory_space<vmem>>, vector<16xi32>,
      }
      %while3A_31 = arith.constant 1 : i32
      scf.for %while3A_233 = %while3A_29 to %while3A_25 step %while3A_31  : i32 {
        %mul3A_234 = arith.constant 16 : i32
        %mul3A_235 = arith.muli %while3A_233, %mul3A_234 : i32
        %add3A_236 = vector.broadcast %mul3A_235 : i32 to vector<16xi32>
        %add3A_237 = arith.addi %iota3A, %add3A_236 : vector<16xi32>
        %mul3A_238 = arith.constant 2 : i32
        %mul3A_239 = vector.broadcast %mul3A_238 : i32 to vector<16xi32>
        %mul3A_240 = arith.muli %add3A_237, %mul3A_239 : vector<16xi32>
        %add3A_241 = arith.constant 1 : i32
        %add3A_242 = vector.broadcast %add3A_241 : i32 to vector<16xi32>
        %add3A_243 = arith.addi %mul3A_240, %add3A_242 : vector<16xi32>
        %gather3A = tpu.vector_load_idx %arg6[%add3A_243] : memref<4096xi32, #tpu.memory_space<vmem>>[vector<16xi32>], vector<16xi32>,
        %shift_right_logical3A = arith.constant 12 : i32
        %shift_right_logical3A_244 = vector.broadcast %shift_right_logical3A : i32 to vector<16xi32>
        %shift_right_logical3A_245 = arith.shrui %gather3A, %shift_right_logical3A_244 : vector<16xi32>
        %mul3A_246 = arith.constant 16 : i32
        %mul3A_247 = arith.muli %while3A_233, %mul3A_246 : i32
        %swap3A = arith.index_cast %mul3A_247 : i32 to index
        %swap3A_248 = tpu.vector_load %arg7[%swap3A] {strides = array<i32>} : memref<2048xi32, #tpu.memory_space<vmem>>, vector<16xi32>,
        tpu.vector_store %arg7[%swap3A], %shift_right_logical3A_245 {strides = array<i32>} : memref<2048xi32, #tpu.memory_space<vmem>>, vector<16xi32>,
        %shift_right_logical3A_249 = arith.constant 7 : i32
        %shift_right_logical3A_250 = vector.broadcast %shift_right_logical3A_249 : i32 to vector<16xi32>
        %shift_right_logical3A_251 = arith.shrui %gather3A, %shift_right_logical3A_250 : vector<16xi32>
        %and3A = arith.constant 31 : i32
        %and3A_252 = vector.broadcast %and3A : i32 to vector<16xi32>
        %and3A_253 = arith.andi %shift_right_logical3A_251, %and3A_252 : vector<16xi32>
        %mul3A_254 = arith.constant 16 : i32
        %mul3A_255 = arith.muli %while3A_233, %mul3A_254 : i32
        %swap3A_256 = arith.index_cast %mul3A_255 : i32 to index
        %swap3A_257 = tpu.vector_load %arg8[%swap3A_256] {strides = array<i32>} : memref<2048xi32, #tpu.memory_space<vmem>>, vector<16xi32>,
        tpu.vector_store %arg8[%swap3A_256], %and3A_253 {strides = array<i32>} : memref<2048xi32, #tpu.memory_space<vmem>>, vector<16xi32>,
      }
      %dma_start3A = arith.constant 0 : i32
      %dma_start3A_32 = tpu.memref_slice %arg9[%dma_start3A] : memref<2048xi32, #tpu.memory_space<vmem>> -> memref<128xi32, #tpu.memory_space<vmem>>
      %dma_start3A_33 = arith.constant 0 : i32
      %dma_start3A_34 = tpu.memref_slice %arg7[%dma_start3A_33] : memref<2048xi32, #tpu.memory_space<vmem>> -> memref<128xi32, #tpu.memory_space<vmem>>
      %dma_start3A_35 = arith.constant 0 : i32
      %dma_start3A_36 = tpu.memref_slice %arg5[%dma_start3A_35] : memref<524288xi32, #tpu.memory_space<vmem_shared>> -> memref<524288xi32, #tpu.memory_space<vmem_shared>>
      tpu.enqueue_indirect_dma source(%dma_start3A_36 : memref<524288xi32, #tpu.memory_space<vmem_shared>>) target(%dma_start3A_32 : memref<128xi32, #tpu.memory_space<vmem>>) offsets(%dma_start3A_34 : memref<128xi32, #tpu.memory_space<vmem>>) semaphore(%arg11 : memref<!tpu.dma_semaphore, #tpu.memory_space<semaphore_mem>>)
      %dma_start3A_37 = arith.constant 128 : i32
      %dma_start3A_38 = tpu.memref_slice %arg9[%dma_start3A_37] : memref<2048xi32, #tpu.memory_space<vmem>> -> memref<128xi32, #tpu.memory_space<vmem>>
      %dma_start3A_39 = arith.constant 128 : i32
      %dma_start3A_40 = tpu.memref_slice %arg7[%dma_start3A_39] : memref<2048xi32, #tpu.memory_space<vmem>> -> memref<128xi32, #tpu.memory_space<vmem>>
      %dma_start3A_41 = arith.constant 0 : i32
      %dma_start3A_42 = tpu.memref_slice %arg5[%dma_start3A_41] : memref<524288xi32, #tpu.memory_space<vmem_shared>> -> memref<524288xi32, #tpu.memory_space<vmem_shared>>
      tpu.enqueue_indirect_dma source(%dma_start3A_42 : memref<524288xi32, #tpu.memory_space<vmem_shared>>) target(%dma_start3A_38 : memref<128xi32, #tpu.memory_space<vmem>>) offsets(%dma_start3A_40 : memref<128xi32, #tpu.memory_space<vmem>>) semaphore(%arg11 : memref<!tpu.dma_semaphore, #tpu.memory_space<semaphore_mem>>)
      %dma_start3A_43 = arith.constant 256 : i32
      %dma_start3A_44 = tpu.memref_slice %arg9[%dma_start3A_43] : memref<2048xi32, #tpu.memory_space<vmem>> -> memref<128xi32, #tpu.memory_space<vmem>>
      %dma_start3A_45 = arith.constant 256 : i32
      %dma_start3A_46 = tpu.memref_slice %arg7[%dma_start3A_45] : memref<2048xi32, #tpu.memory_space<vmem>> -> memref<128xi32, #tpu.memory_space<vmem>>
      %dma_start3A_47 = arith.constant 0 : i32
      %dma_start3A_48 = tpu.memref_slice %arg5[%dma_start3A_47] : memref<524288xi32, #tpu.memory_space<vmem_shared>> -> memref<524288xi32, #tpu.memory_space<vmem_shared>>
      tpu.enqueue_indirect_dma source(%dma_start3A_48 : memref<524288xi32, #tpu.memory_space<vmem_shared>>) target(%dma_start3A_44 : memref<128xi32, #tpu.memory_space<vmem>>) offsets(%dma_start3A_46 : memref<128xi32, #tpu.memory_space<vmem>>) semaphore(%arg11 : memref<!tpu.dma_semaphore, #tpu.memory_space<semaphore_mem>>)
      %dma_start3A_49 = arith.constant 384 : i32
      %dma_start3A_50 = tpu.memref_slice %arg9[%dma_start3A_49] : memref<2048xi32, #tpu.memory_space<vmem>> -> memref<128xi32, #tpu.memory_space<vmem>>
      %dma_start3A_51 = arith.constant 384 : i32
      %dma_start3A_52 = tpu.memref_slice %arg7[%dma_start3A_51] : memref<2048xi32, #tpu.memory_space<vmem>> -> memref<128xi32, #tpu.memory_space<vmem>>
      %dma_start3A_53 = arith.constant 0 : i32
      %dma_start3A_54 = tpu.memref_slice %arg5[%dma_start3A_53] : memref<524288xi32, #tpu.memory_space<vmem_shared>> -> memref<524288xi32, #tpu.memory_space<vmem_shared>>
      tpu.enqueue_indirect_dma source(%dma_start3A_54 : memref<524288xi32, #tpu.memory_space<vmem_shared>>) target(%dma_start3A_50 : memref<128xi32, #tpu.memory_space<vmem>>) offsets(%dma_start3A_52 : memref<128xi32, #tpu.memory_space<vmem>>) semaphore(%arg11 : memref<!tpu.dma_semaphore, #tpu.memory_space<semaphore_mem>>)
      %dma_start3A_55 = arith.constant 512 : i32
      %dma_start3A_56 = tpu.memref_slice %arg9[%dma_start3A_55] : memref<2048xi32, #tpu.memory_space<vmem>> -> memref<128xi32, #tpu.memory_space<vmem>>
      %dma_start3A_57 = arith.constant 512 : i32
      %dma_start3A_58 = tpu.memref_slice %arg7[%dma_start3A_57] : memref<2048xi32, #tpu.memory_space<vmem>> -> memref<128xi32, #tpu.memory_space<vmem>>
      %dma_start3A_59 = arith.constant 0 : i32
      %dma_start3A_60 = tpu.memref_slice %arg5[%dma_start3A_59] : memref<524288xi32, #tpu.memory_space<vmem_shared>> -> memref<524288xi32, #tpu.memory_space<vmem_shared>>
      tpu.enqueue_indirect_dma source(%dma_start3A_60 : memref<524288xi32, #tpu.memory_space<vmem_shared>>) target(%dma_start3A_56 : memref<128xi32, #tpu.memory_space<vmem>>) offsets(%dma_start3A_58 : memref<128xi32, #tpu.memory_space<vmem>>) semaphore(%arg11 : memref<!tpu.dma_semaphore, #tpu.memory_space<semaphore_mem>>)
      %dma_start3A_61 = arith.constant 640 : i32
      %dma_start3A_62 = tpu.memref_slice %arg9[%dma_start3A_61] : memref<2048xi32, #tpu.memory_space<vmem>> -> memref<128xi32, #tpu.memory_space<vmem>>
      %dma_start3A_63 = arith.constant 640 : i32
      %dma_start3A_64 = tpu.memref_slice %arg7[%dma_start3A_63] : memref<2048xi32, #tpu.memory_space<vmem>> -> memref<128xi32, #tpu.memory_space<vmem>>
      %dma_start3A_65 = arith.constant 0 : i32
      %dma_start3A_66 = tpu.memref_slice %arg5[%dma_start3A_65] : memref<524288xi32, #tpu.memory_space<vmem_shared>> -> memref<524288xi32, #tpu.memory_space<vmem_shared>>
      tpu.enqueue_indirect_dma source(%dma_start3A_66 : memref<524288xi32, #tpu.memory_space<vmem_shared>>) target(%dma_start3A_62 : memref<128xi32, #tpu.memory_space<vmem>>) offsets(%dma_start3A_64 : memref<128xi32, #tpu.memory_space<vmem>>) semaphore(%arg11 : memref<!tpu.dma_semaphore, #tpu.memory_space<semaphore_mem>>)
      %dma_start3A_67 = arith.constant 768 : i32
      %dma_start3A_68 = tpu.memref_slice %arg9[%dma_start3A_67] : memref<2048xi32, #tpu.memory_space<vmem>> -> memref<128xi32, #tpu.memory_space<vmem>>
      %dma_start3A_69 = arith.constant 768 : i32
      %dma_start3A_70 = tpu.memref_slice %arg7[%dma_start3A_69] : memref<2048xi32, #tpu.memory_space<vmem>> -> memref<128xi32, #tpu.memory_space<vmem>>
      %dma_start3A_71 = arith.constant 0 : i32
      %dma_start3A_72 = tpu.memref_slice %arg5[%dma_start3A_71] : memref<524288xi32, #tpu.memory_space<vmem_shared>> -> memref<524288xi32, #tpu.memory_space<vmem_shared>>
      tpu.enqueue_indirect_dma source(%dma_start3A_72 : memref<524288xi32, #tpu.memory_space<vmem_shared>>) target(%dma_start3A_68 : memref<128xi32, #tpu.memory_space<vmem>>) offsets(%dma_start3A_70 : memref<128xi32, #tpu.memory_space<vmem>>) semaphore(%arg11 : memref<!tpu.dma_semaphore, #tpu.memory_space<semaphore_mem>>)
      %dma_start3A_73 = arith.constant 896 : i32
      %dma_start3A_74 = tpu.memref_slice %arg9[%dma_start3A_73] : memref<2048xi32, #tpu.memory_space<vmem>> -> memref<128xi32, #tpu.memory_space<vmem>>
      %dma_start3A_75 = arith.constant 896 : i32
      %dma_start3A_76 = tpu.memref_slice %arg7[%dma_start3A_75] : memref<2048xi32, #tpu.memory_space<vmem>> -> memref<128xi32, #tpu.memory_space<vmem>>
      %dma_start3A_77 = arith.constant 0 : i32
      %dma_start3A_78 = tpu.memref_slice %arg5[%dma_start3A_77] : memref<524288xi32, #tpu.memory_space<vmem_shared>> -> memref<524288xi32, #tpu.memory_space<vmem_shared>>
      tpu.enqueue_indirect_dma source(%dma_start3A_78 : memref<524288xi32, #tpu.memory_space<vmem_shared>>) target(%dma_start3A_74 : memref<128xi32, #tpu.memory_space<vmem>>) offsets(%dma_start3A_76 : memref<128xi32, #tpu.memory_space<vmem>>) semaphore(%arg11 : memref<!tpu.dma_semaphore, #tpu.memory_space<semaphore_mem>>)
      %dma_start3A_79 = arith.constant 1024 : i32
      %dma_start3A_80 = tpu.memref_slice %arg9[%dma_start3A_79] : memref<2048xi32, #tpu.memory_space<vmem>> -> memref<128xi32, #tpu.memory_space<vmem>>
      %dma_start3A_81 = arith.constant 1024 : i32
      %dma_start3A_82 = tpu.memref_slice %arg7[%dma_start3A_81] : memref<2048xi32, #tpu.memory_space<vmem>> -> memref<128xi32, #tpu.memory_space<vmem>>
      %dma_start3A_83 = arith.constant 0 : i32
      %dma_start3A_84 = tpu.memref_slice %arg5[%dma_start3A_83] : memref<524288xi32, #tpu.memory_space<vmem_shared>> -> memref<524288xi32, #tpu.memory_space<vmem_shared>>
      tpu.enqueue_indirect_dma source(%dma_start3A_84 : memref<524288xi32, #tpu.memory_space<vmem_shared>>) target(%dma_start3A_80 : memref<128xi32, #tpu.memory_space<vmem>>) offsets(%dma_start3A_82 : memref<128xi32, #tpu.memory_space<vmem>>) semaphore(%arg11 : memref<!tpu.dma_semaphore, #tpu.memory_space<semaphore_mem>>)
      %dma_start3A_85 = arith.constant 1152 : i32
      %dma_start3A_86 = tpu.memref_slice %arg9[%dma_start3A_85] : memref<2048xi32, #tpu.memory_space<vmem>> -> memref<128xi32, #tpu.memory_space<vmem>>
      %dma_start3A_87 = arith.constant 1152 : i32
      %dma_start3A_88 = tpu.memref_slice %arg7[%dma_start3A_87] : memref<2048xi32, #tpu.memory_space<vmem>> -> memref<128xi32, #tpu.memory_space<vmem>>
      %dma_start3A_89 = arith.constant 0 : i32
      %dma_start3A_90 = tpu.memref_slice %arg5[%dma_start3A_89] : memref<524288xi32, #tpu.memory_space<vmem_shared>> -> memref<524288xi32, #tpu.memory_space<vmem_shared>>
      tpu.enqueue_indirect_dma source(%dma_start3A_90 : memref<524288xi32, #tpu.memory_space<vmem_shared>>) target(%dma_start3A_86 : memref<128xi32, #tpu.memory_space<vmem>>) offsets(%dma_start3A_88 : memref<128xi32, #tpu.memory_space<vmem>>) semaphore(%arg11 : memref<!tpu.dma_semaphore, #tpu.memory_space<semaphore_mem>>)
      %dma_start3A_91 = arith.constant 1280 : i32
      %dma_start3A_92 = tpu.memref_slice %arg9[%dma_start3A_91] : memref<2048xi32, #tpu.memory_space<vmem>> -> memref<128xi32, #tpu.memory_space<vmem>>
      %dma_start3A_93 = arith.constant 1280 : i32
      %dma_start3A_94 = tpu.memref_slice %arg7[%dma_start3A_93] : memref<2048xi32, #tpu.memory_space<vmem>> -> memref<128xi32, #tpu.memory_space<vmem>>
      %dma_start3A_95 = arith.constant 0 : i32
      %dma_start3A_96 = tpu.memref_slice %arg5[%dma_start3A_95] : memref<524288xi32, #tpu.memory_space<vmem_shared>> -> memref<524288xi32, #tpu.memory_space<vmem_shared>>
      tpu.enqueue_indirect_dma source(%dma_start3A_96 : memref<524288xi32, #tpu.memory_space<vmem_shared>>) target(%dma_start3A_92 : memref<128xi32, #tpu.memory_space<vmem>>) offsets(%dma_start3A_94 : memref<128xi32, #tpu.memory_space<vmem>>) semaphore(%arg11 : memref<!tpu.dma_semaphore, #tpu.memory_space<semaphore_mem>>)
      %dma_start3A_97 = arith.constant 1408 : i32
      %dma_start3A_98 = tpu.memref_slice %arg9[%dma_start3A_97] : memref<2048xi32, #tpu.memory_space<vmem>> -> memref<128xi32, #tpu.memory_space<vmem>>
      %dma_start3A_99 = arith.constant 1408 : i32
      %dma_start3A_100 = tpu.memref_slice %arg7[%dma_start3A_99] : memref<2048xi32, #tpu.memory_space<vmem>> -> memref<128xi32, #tpu.memory_space<vmem>>
      %dma_start3A_101 = arith.constant 0 : i32
      %dma_start3A_102 = tpu.memref_slice %arg5[%dma_start3A_101] : memref<524288xi32, #tpu.memory_space<vmem_shared>> -> memref<524288xi32, #tpu.memory_space<vmem_shared>>
      tpu.enqueue_indirect_dma source(%dma_start3A_102 : memref<524288xi32, #tpu.memory_space<vmem_shared>>) target(%dma_start3A_98 : memref<128xi32, #tpu.memory_space<vmem>>) offsets(%dma_start3A_100 : memref<128xi32, #tpu.memory_space<vmem>>) semaphore(%arg11 : memref<!tpu.dma_semaphore, #tpu.memory_space<semaphore_mem>>)
      %dma_start3A_103 = arith.constant 1536 : i32
      %dma_start3A_104 = tpu.memref_slice %arg9[%dma_start3A_103] : memref<2048xi32, #tpu.memory_space<vmem>> -> memref<128xi32, #tpu.memory_space<vmem>>
      %dma_start3A_105 = arith.constant 1536 : i32
      %dma_start3A_106 = tpu.memref_slice %arg7[%dma_start3A_105] : memref<2048xi32, #tpu.memory_space<vmem>> -> memref<128xi32, #tpu.memory_space<vmem>>
      %dma_start3A_107 = arith.constant 0 : i32
      %dma_start3A_108 = tpu.memref_slice %arg5[%dma_start3A_107] : memref<524288xi32, #tpu.memory_space<vmem_shared>> -> memref<524288xi32, #tpu.memory_space<vmem_shared>>
      tpu.enqueue_indirect_dma source(%dma_start3A_108 : memref<524288xi32, #tpu.memory_space<vmem_shared>>) target(%dma_start3A_104 : memref<128xi32, #tpu.memory_space<vmem>>) offsets(%dma_start3A_106 : memref<128xi32, #tpu.memory_space<vmem>>) semaphore(%arg11 : memref<!tpu.dma_semaphore, #tpu.memory_space<semaphore_mem>>)
      %dma_start3A_109 = arith.constant 1664 : i32
      %dma_start3A_110 = tpu.memref_slice %arg9[%dma_start3A_109] : memref<2048xi32, #tpu.memory_space<vmem>> -> memref<128xi32, #tpu.memory_space<vmem>>
      %dma_start3A_111 = arith.constant 1664 : i32
      %dma_start3A_112 = tpu.memref_slice %arg7[%dma_start3A_111] : memref<2048xi32, #tpu.memory_space<vmem>> -> memref<128xi32, #tpu.memory_space<vmem>>
      %dma_start3A_113 = arith.constant 0 : i32
      %dma_start3A_114 = tpu.memref_slice %arg5[%dma_start3A_113] : memref<524288xi32, #tpu.memory_space<vmem_shared>> -> memref<524288xi32, #tpu.memory_space<vmem_shared>>
      tpu.enqueue_indirect_dma source(%dma_start3A_114 : memref<524288xi32, #tpu.memory_space<vmem_shared>>) target(%dma_start3A_110 : memref<128xi32, #tpu.memory_space<vmem>>) offsets(%dma_start3A_112 : memref<128xi32, #tpu.memory_space<vmem>>) semaphore(%arg11 : memref<!tpu.dma_semaphore, #tpu.memory_space<semaphore_mem>>)
      %dma_start3A_115 = arith.constant 1792 : i32
      %dma_start3A_116 = tpu.memref_slice %arg9[%dma_start3A_115] : memref<2048xi32, #tpu.memory_space<vmem>> -> memref<128xi32, #tpu.memory_space<vmem>>
      %dma_start3A_117 = arith.constant 1792 : i32
      %dma_start3A_118 = tpu.memref_slice %arg7[%dma_start3A_117] : memref<2048xi32, #tpu.memory_space<vmem>> -> memref<128xi32, #tpu.memory_space<vmem>>
      %dma_start3A_119 = arith.constant 0 : i32
      %dma_start3A_120 = tpu.memref_slice %arg5[%dma_start3A_119] : memref<524288xi32, #tpu.memory_space<vmem_shared>> -> memref<524288xi32, #tpu.memory_space<vmem_shared>>
      tpu.enqueue_indirect_dma source(%dma_start3A_120 : memref<524288xi32, #tpu.memory_space<vmem_shared>>) target(%dma_start3A_116 : memref<128xi32, #tpu.memory_space<vmem>>) offsets(%dma_start3A_118 : memref<128xi32, #tpu.memory_space<vmem>>) semaphore(%arg11 : memref<!tpu.dma_semaphore, #tpu.memory_space<semaphore_mem>>)
      %dma_start3A_121 = arith.constant 1920 : i32
      %dma_start3A_122 = tpu.memref_slice %arg9[%dma_start3A_121] : memref<2048xi32, #tpu.memory_space<vmem>> -> memref<128xi32, #tpu.memory_space<vmem>>
      %dma_start3A_123 = arith.constant 1920 : i32
      %dma_start3A_124 = tpu.memref_slice %arg7[%dma_start3A_123] : memref<2048xi32, #tpu.memory_space<vmem>> -> memref<128xi32, #tpu.memory_space<vmem>>
      %dma_start3A_125 = arith.constant 0 : i32
      %dma_start3A_126 = tpu.memref_slice %arg5[%dma_start3A_125] : memref<524288xi32, #tpu.memory_space<vmem_shared>> -> memref<524288xi32, #tpu.memory_space<vmem_shared>>
      tpu.enqueue_indirect_dma source(%dma_start3A_126 : memref<524288xi32, #tpu.memory_space<vmem_shared>>) target(%dma_start3A_122 : memref<128xi32, #tpu.memory_space<vmem>>) offsets(%dma_start3A_124 : memref<128xi32, #tpu.memory_space<vmem>>) semaphore(%arg11 : memref<!tpu.dma_semaphore, #tpu.memory_space<semaphore_mem>>)
      %dma_wait3A = arith.constant 0 : i32
      %dma_wait3A_127 = tpu.memref_slice %arg9[%dma_wait3A] : memref<2048xi32, #tpu.memory_space<vmem>> -> memref<128xi32, #tpu.memory_space<vmem>>
      %dma_wait3A_128 = arith.constant 0 : i32
      %dma_wait3A_129 = tpu.memref_slice %arg7[%dma_wait3A_128] : memref<2048xi32, #tpu.memory_space<vmem>> -> memref<128xi32, #tpu.memory_space<vmem>>
      %dma_wait3A_130 = arith.constant 0 : i32
      %dma_wait3A_131 = tpu.memref_slice %arg5[%dma_wait3A_130] : memref<524288xi32, #tpu.memory_space<vmem_shared>> -> memref<524288xi32, #tpu.memory_space<vmem_shared>>
      tpu.wait_indirect_dma semaphore(%arg11 : memref<!tpu.dma_semaphore, #tpu.memory_space<semaphore_mem>>) src(%dma_wait3A_131 : memref<524288xi32, #tpu.memory_space<vmem_shared>>) dst(%dma_wait3A_127 : memref<128xi32, #tpu.memory_space<vmem>>)
      %dma_wait3A_132 = arith.constant 128 : i32
      %dma_wait3A_133 = tpu.memref_slice %arg9[%dma_wait3A_132] : memref<2048xi32, #tpu.memory_space<vmem>> -> memref<128xi32, #tpu.memory_space<vmem>>
      %dma_wait3A_134 = arith.constant 128 : i32
      %dma_wait3A_135 = tpu.memref_slice %arg7[%dma_wait3A_134] : memref<2048xi32, #tpu.memory_space<vmem>> -> memref<128xi32, #tpu.memory_space<vmem>>
      %dma_wait3A_136 = arith.constant 0 : i32
      %dma_wait3A_137 = tpu.memref_slice %arg5[%dma_wait3A_136] : memref<524288xi32, #tpu.memory_space<vmem_shared>> -> memref<524288xi32, #tpu.memory_space<vmem_shared>>
      tpu.wait_indirect_dma semaphore(%arg11 : memref<!tpu.dma_semaphore, #tpu.memory_space<semaphore_mem>>) src(%dma_wait3A_137 : memref<524288xi32, #tpu.memory_space<vmem_shared>>) dst(%dma_wait3A_133 : memref<128xi32, #tpu.memory_space<vmem>>)
      %dma_wait3A_138 = arith.constant 256 : i32
      %dma_wait3A_139 = tpu.memref_slice %arg9[%dma_wait3A_138] : memref<2048xi32, #tpu.memory_space<vmem>> -> memref<128xi32, #tpu.memory_space<vmem>>
      %dma_wait3A_140 = arith.constant 256 : i32
      %dma_wait3A_141 = tpu.memref_slice %arg7[%dma_wait3A_140] : memref<2048xi32, #tpu.memory_space<vmem>> -> memref<128xi32, #tpu.memory_space<vmem>>
      %dma_wait3A_142 = arith.constant 0 : i32
      %dma_wait3A_143 = tpu.memref_slice %arg5[%dma_wait3A_142] : memref<524288xi32, #tpu.memory_space<vmem_shared>> -> memref<524288xi32, #tpu.memory_space<vmem_shared>>
      tpu.wait_indirect_dma semaphore(%arg11 : memref<!tpu.dma_semaphore, #tpu.memory_space<semaphore_mem>>) src(%dma_wait3A_143 : memref<524288xi32, #tpu.memory_space<vmem_shared>>) dst(%dma_wait3A_139 : memref<128xi32, #tpu.memory_space<vmem>>)
      %dma_wait3A_144 = arith.constant 384 : i32
      %dma_wait3A_145 = tpu.memref_slice %arg9[%dma_wait3A_144] : memref<2048xi32, #tpu.memory_space<vmem>> -> memref<128xi32, #tpu.memory_space<vmem>>
      %dma_wait3A_146 = arith.constant 384 : i32
      %dma_wait3A_147 = tpu.memref_slice %arg7[%dma_wait3A_146] : memref<2048xi32, #tpu.memory_space<vmem>> -> memref<128xi32, #tpu.memory_space<vmem>>
      %dma_wait3A_148 = arith.constant 0 : i32
      %dma_wait3A_149 = tpu.memref_slice %arg5[%dma_wait3A_148] : memref<524288xi32, #tpu.memory_space<vmem_shared>> -> memref<524288xi32, #tpu.memory_space<vmem_shared>>
      tpu.wait_indirect_dma semaphore(%arg11 : memref<!tpu.dma_semaphore, #tpu.memory_space<semaphore_mem>>) src(%dma_wait3A_149 : memref<524288xi32, #tpu.memory_space<vmem_shared>>) dst(%dma_wait3A_145 : memref<128xi32, #tpu.memory_space<vmem>>)
      %dma_wait3A_150 = arith.constant 512 : i32
      %dma_wait3A_151 = tpu.memref_slice %arg9[%dma_wait3A_150] : memref<2048xi32, #tpu.memory_space<vmem>> -> memref<128xi32, #tpu.memory_space<vmem>>
      %dma_wait3A_152 = arith.constant 512 : i32
      %dma_wait3A_153 = tpu.memref_slice %arg7[%dma_wait3A_152] : memref<2048xi32, #tpu.memory_space<vmem>> -> memref<128xi32, #tpu.memory_space<vmem>>
      %dma_wait3A_154 = arith.constant 0 : i32
      %dma_wait3A_155 = tpu.memref_slice %arg5[%dma_wait3A_154] : memref<524288xi32, #tpu.memory_space<vmem_shared>> -> memref<524288xi32, #tpu.memory_space<vmem_shared>>
      tpu.wait_indirect_dma semaphore(%arg11 : memref<!tpu.dma_semaphore, #tpu.memory_space<semaphore_mem>>) src(%dma_wait3A_155 : memref<524288xi32, #tpu.memory_space<vmem_shared>>) dst(%dma_wait3A_151 : memref<128xi32, #tpu.memory_space<vmem>>)
      %dma_wait3A_156 = arith.constant 640 : i32
      %dma_wait3A_157 = tpu.memref_slice %arg9[%dma_wait3A_156] : memref<2048xi32, #tpu.memory_space<vmem>> -> memref<128xi32, #tpu.memory_space<vmem>>
      %dma_wait3A_158 = arith.constant 640 : i32
      %dma_wait3A_159 = tpu.memref_slice %arg7[%dma_wait3A_158] : memref<2048xi32, #tpu.memory_space<vmem>> -> memref<128xi32, #tpu.memory_space<vmem>>
      %dma_wait3A_160 = arith.constant 0 : i32
      %dma_wait3A_161 = tpu.memref_slice %arg5[%dma_wait3A_160] : memref<524288xi32, #tpu.memory_space<vmem_shared>> -> memref<524288xi32, #tpu.memory_space<vmem_shared>>
      tpu.wait_indirect_dma semaphore(%arg11 : memref<!tpu.dma_semaphore, #tpu.memory_space<semaphore_mem>>) src(%dma_wait3A_161 : memref<524288xi32, #tpu.memory_space<vmem_shared>>) dst(%dma_wait3A_157 : memref<128xi32, #tpu.memory_space<vmem>>)
      %dma_wait3A_162 = arith.constant 768 : i32
      %dma_wait3A_163 = tpu.memref_slice %arg9[%dma_wait3A_162] : memref<2048xi32, #tpu.memory_space<vmem>> -> memref<128xi32, #tpu.memory_space<vmem>>
      %dma_wait3A_164 = arith.constant 768 : i32
      %dma_wait3A_165 = tpu.memref_slice %arg7[%dma_wait3A_164] : memref<2048xi32, #tpu.memory_space<vmem>> -> memref<128xi32, #tpu.memory_space<vmem>>
      %dma_wait3A_166 = arith.constant 0 : i32
      %dma_wait3A_167 = tpu.memref_slice %arg5[%dma_wait3A_166] : memref<524288xi32, #tpu.memory_space<vmem_shared>> -> memref<524288xi32, #tpu.memory_space<vmem_shared>>
      tpu.wait_indirect_dma semaphore(%arg11 : memref<!tpu.dma_semaphore, #tpu.memory_space<semaphore_mem>>) src(%dma_wait3A_167 : memref<524288xi32, #tpu.memory_space<vmem_shared>>) dst(%dma_wait3A_163 : memref<128xi32, #tpu.memory_space<vmem>>)
      %dma_wait3A_168 = arith.constant 896 : i32
      %dma_wait3A_169 = tpu.memref_slice %arg9[%dma_wait3A_168] : memref<2048xi32, #tpu.memory_space<vmem>> -> memref<128xi32, #tpu.memory_space<vmem>>
      %dma_wait3A_170 = arith.constant 896 : i32
      %dma_wait3A_171 = tpu.memref_slice %arg7[%dma_wait3A_170] : memref<2048xi32, #tpu.memory_space<vmem>> -> memref<128xi32, #tpu.memory_space<vmem>>
      %dma_wait3A_172 = arith.constant 0 : i32
      %dma_wait3A_173 = tpu.memref_slice %arg5[%dma_wait3A_172] : memref<524288xi32, #tpu.memory_space<vmem_shared>> -> memref<524288xi32, #tpu.memory_space<vmem_shared>>
      tpu.wait_indirect_dma semaphore(%arg11 : memref<!tpu.dma_semaphore, #tpu.memory_space<semaphore_mem>>) src(%dma_wait3A_173 : memref<524288xi32, #tpu.memory_space<vmem_shared>>) dst(%dma_wait3A_169 : memref<128xi32, #tpu.memory_space<vmem>>)
      %dma_wait3A_174 = arith.constant 1024 : i32
      %dma_wait3A_175 = tpu.memref_slice %arg9[%dma_wait3A_174] : memref<2048xi32, #tpu.memory_space<vmem>> -> memref<128xi32, #tpu.memory_space<vmem>>
      %dma_wait3A_176 = arith.constant 1024 : i32
      %dma_wait3A_177 = tpu.memref_slice %arg7[%dma_wait3A_176] : memref<2048xi32, #tpu.memory_space<vmem>> -> memref<128xi32, #tpu.memory_space<vmem>>
      %dma_wait3A_178 = arith.constant 0 : i32
      %dma_wait3A_179 = tpu.memref_slice %arg5[%dma_wait3A_178] : memref<524288xi32, #tpu.memory_space<vmem_shared>> -> memref<524288xi32, #tpu.memory_space<vmem_shared>>
      tpu.wait_indirect_dma semaphore(%arg11 : memref<!tpu.dma_semaphore, #tpu.memory_space<semaphore_mem>>) src(%dma_wait3A_179 : memref<524288xi32, #tpu.memory_space<vmem_shared>>) dst(%dma_wait3A_175 : memref<128xi32, #tpu.memory_space<vmem>>)
      %dma_wait3A_180 = arith.constant 1152 : i32
      %dma_wait3A_181 = tpu.memref_slice %arg9[%dma_wait3A_180] : memref<2048xi32, #tpu.memory_space<vmem>> -> memref<128xi32, #tpu.memory_space<vmem>>
      %dma_wait3A_182 = arith.constant 1152 : i32
      %dma_wait3A_183 = tpu.memref_slice %arg7[%dma_wait3A_182] : memref<2048xi32, #tpu.memory_space<vmem>> -> memref<128xi32, #tpu.memory_space<vmem>>
      %dma_wait3A_184 = arith.constant 0 : i32
      %dma_wait3A_185 = tpu.memref_slice %arg5[%dma_wait3A_184] : memref<524288xi32, #tpu.memory_space<vmem_shared>> -> memref<524288xi32, #tpu.memory_space<vmem_shared>>
      tpu.wait_indirect_dma semaphore(%arg11 : memref<!tpu.dma_semaphore, #tpu.memory_space<semaphore_mem>>) src(%dma_wait3A_185 : memref<524288xi32, #tpu.memory_space<vmem_shared>>) dst(%dma_wait3A_181 : memref<128xi32, #tpu.memory_space<vmem>>)
      %dma_wait3A_186 = arith.constant 1280 : i32
      %dma_wait3A_187 = tpu.memref_slice %arg9[%dma_wait3A_186] : memref<2048xi32, #tpu.memory_space<vmem>> -> memref<128xi32, #tpu.memory_space<vmem>>
      %dma_wait3A_188 = arith.constant 1280 : i32
      %dma_wait3A_189 = tpu.memref_slice %arg7[%dma_wait3A_188] : memref<2048xi32, #tpu.memory_space<vmem>> -> memref<128xi32, #tpu.memory_space<vmem>>
      %dma_wait3A_190 = arith.constant 0 : i32
      %dma_wait3A_191 = tpu.memref_slice %arg5[%dma_wait3A_190] : memref<524288xi32, #tpu.memory_space<vmem_shared>> -> memref<524288xi32, #tpu.memory_space<vmem_shared>>
      tpu.wait_indirect_dma semaphore(%arg11 : memref<!tpu.dma_semaphore, #tpu.memory_space<semaphore_mem>>) src(%dma_wait3A_191 : memref<524288xi32, #tpu.memory_space<vmem_shared>>) dst(%dma_wait3A_187 : memref<128xi32, #tpu.memory_space<vmem>>)
      %dma_wait3A_192 = arith.constant 1408 : i32
      %dma_wait3A_193 = tpu.memref_slice %arg9[%dma_wait3A_192] : memref<2048xi32, #tpu.memory_space<vmem>> -> memref<128xi32, #tpu.memory_space<vmem>>
      %dma_wait3A_194 = arith.constant 1408 : i32
      %dma_wait3A_195 = tpu.memref_slice %arg7[%dma_wait3A_194] : memref<2048xi32, #tpu.memory_space<vmem>> -> memref<128xi32, #tpu.memory_space<vmem>>
      %dma_wait3A_196 = arith.constant 0 : i32
      %dma_wait3A_197 = tpu.memref_slice %arg5[%dma_wait3A_196] : memref<524288xi32, #tpu.memory_space<vmem_shared>> -> memref<524288xi32, #tpu.memory_space<vmem_shared>>
      tpu.wait_indirect_dma semaphore(%arg11 : memref<!tpu.dma_semaphore, #tpu.memory_space<semaphore_mem>>) src(%dma_wait3A_197 : memref<524288xi32, #tpu.memory_space<vmem_shared>>) dst(%dma_wait3A_193 : memref<128xi32, #tpu.memory_space<vmem>>)
      %dma_wait3A_198 = arith.constant 1536 : i32
      %dma_wait3A_199 = tpu.memref_slice %arg9[%dma_wait3A_198] : memref<2048xi32, #tpu.memory_space<vmem>> -> memref<128xi32, #tpu.memory_space<vmem>>
      %dma_wait3A_200 = arith.constant 1536 : i32
      %dma_wait3A_201 = tpu.memref_slice %arg7[%dma_wait3A_200] : memref<2048xi32, #tpu.memory_space<vmem>> -> memref<128xi32, #tpu.memory_space<vmem>>
      %dma_wait3A_202 = arith.constant 0 : i32
      %dma_wait3A_203 = tpu.memref_slice %arg5[%dma_wait3A_202] : memref<524288xi32, #tpu.memory_space<vmem_shared>> -> memref<524288xi32, #tpu.memory_space<vmem_shared>>
      tpu.wait_indirect_dma semaphore(%arg11 : memref<!tpu.dma_semaphore, #tpu.memory_space<semaphore_mem>>) src(%dma_wait3A_203 : memref<524288xi32, #tpu.memory_space<vmem_shared>>) dst(%dma_wait3A_199 : memref<128xi32, #tpu.memory_space<vmem>>)
      %dma_wait3A_204 = arith.constant 1664 : i32
      %dma_wait3A_205 = tpu.memref_slice %arg9[%dma_wait3A_204] : memref<2048xi32, #tpu.memory_space<vmem>> -> memref<128xi32, #tpu.memory_space<vmem>>
      %dma_wait3A_206 = arith.constant 1664 : i32
      %dma_wait3A_207 = tpu.memref_slice %arg7[%dma_wait3A_206] : memref<2048xi32, #tpu.memory_space<vmem>> -> memref<128xi32, #tpu.memory_space<vmem>>
      %dma_wait3A_208 = arith.constant 0 : i32
      %dma_wait3A_209 = tpu.memref_slice %arg5[%dma_wait3A_208] : memref<524288xi32, #tpu.memory_space<vmem_shared>> -> memref<524288xi32, #tpu.memory_space<vmem_shared>>
      tpu.wait_indirect_dma semaphore(%arg11 : memref<!tpu.dma_semaphore, #tpu.memory_space<semaphore_mem>>) src(%dma_wait3A_209 : memref<524288xi32, #tpu.memory_space<vmem_shared>>) dst(%dma_wait3A_205 : memref<128xi32, #tpu.memory_space<vmem>>)
      %dma_wait3A_210 = arith.constant 1792 : i32
      %dma_wait3A_211 = tpu.memref_slice %arg9[%dma_wait3A_210] : memref<2048xi32, #tpu.memory_space<vmem>> -> memref<128xi32, #tpu.memory_space<vmem>>
      %dma_wait3A_212 = arith.constant 1792 : i32
      %dma_wait3A_213 = tpu.memref_slice %arg7[%dma_wait3A_212] : memref<2048xi32, #tpu.memory_space<vmem>> -> memref<128xi32, #tpu.memory_space<vmem>>
      %dma_wait3A_214 = arith.constant 0 : i32
      %dma_wait3A_215 = tpu.memref_slice %arg5[%dma_wait3A_214] : memref<524288xi32, #tpu.memory_space<vmem_shared>> -> memref<524288xi32, #tpu.memory_space<vmem_shared>>
      tpu.wait_indirect_dma semaphore(%arg11 : memref<!tpu.dma_semaphore, #tpu.memory_space<semaphore_mem>>) src(%dma_wait3A_215 : memref<524288xi32, #tpu.memory_space<vmem_shared>>) dst(%dma_wait3A_211 : memref<128xi32, #tpu.memory_space<vmem>>)
      %dma_wait3A_216 = arith.constant 1920 : i32
      %dma_wait3A_217 = tpu.memref_slice %arg9[%dma_wait3A_216] : memref<2048xi32, #tpu.memory_space<vmem>> -> memref<128xi32, #tpu.memory_space<vmem>>
      %dma_wait3A_218 = arith.constant 1920 : i32
      %dma_wait3A_219 = tpu.memref_slice %arg7[%dma_wait3A_218] : memref<2048xi32, #tpu.memory_space<vmem>> -> memref<128xi32, #tpu.memory_space<vmem>>
      %dma_wait3A_220 = arith.constant 0 : i32
      %dma_wait3A_221 = tpu.memref_slice %arg5[%dma_wait3A_220] : memref<524288xi32, #tpu.memory_space<vmem_shared>> -> memref<524288xi32, #tpu.memory_space<vmem_shared>>
      tpu.wait_indirect_dma semaphore(%arg11 : memref<!tpu.dma_semaphore, #tpu.memory_space<semaphore_mem>>) src(%dma_wait3A_221 : memref<524288xi32, #tpu.memory_space<vmem_shared>>) dst(%dma_wait3A_217 : memref<128xi32, #tpu.memory_space<vmem>>)
      %while3A_222 = arith.constant 0 : i32
      %while3A_223 = arith.constant 0 : i32
      %while3A_224 = arith.constant 128 : i32
      %while3A_225 = arith.subi %while3A_224, %while3A_223 : i32
      %while3A_226 = arith.addi %while3A_223, %while3A_225 : i32
      %while3A_227 = arith.constant 1 : i32
      %while3A_228 = arith.divsi %while3A_225, %while3A_227 : i32
      %while3A_229 = arith.muli %while3A_228, %while3A_227 : i32
      %while3A_230 = arith.addi %while3A_223, %while3A_229 : i32
      %while3A_231 = arith.constant 1 : i32
      scf.for %while3A_233 = %while3A_223 to %while3A_230 step %while3A_231  : i32 {
        %mul3A_234 = arith.constant 16 : i32
        %mul3A_235 = arith.muli %while3A_233, %mul3A_234 : i32
        %get3A = arith.index_cast %mul3A_235 : i32 to index
        %get3A_236 = tpu.vector_load %arg9[%get3A] {strides = array<i32>} : memref<2048xi32, #tpu.memory_space<vmem>>, vector<16xi32>,
        %get3A_237 = arith.index_cast %mul3A_235 : i32 to index
        %get3A_238 = tpu.vector_load %arg8[%get3A_237] {strides = array<i32>} : memref<2048xi32, #tpu.memory_space<vmem>>, vector<16xi32>,
        %shift_right_logical3A = arith.shrui %get3A_236, %get3A_238 : vector<16xi32>
        %and3A = arith.constant 1 : i32
        %and3A_239 = vector.broadcast %and3A : i32 to vector<16xi32>
        %and3A_240 = arith.andi %shift_right_logical3A, %and3A_239 : vector<16xi32>
        %swap3A = arith.index_cast %mul3A_235 : i32 to index
        %swap3A_241 = tpu.vector_load %arg10[%swap3A] {strides = array<i32>} : memref<2048xi32, #tpu.memory_space<vmem>>, vector<16xi32>,
        tpu.vector_store %arg10[%swap3A], %and3A_240 {strides = array<i32>} : memref<2048xi32, #tpu.memory_space<vmem>>, vector<16xi32>,
      }
      %while3A_232 = arith.constant 1 : i32
      scf.for %while3A_233 = %while3A_230 to %while3A_226 step %while3A_232  : i32 {
        %mul3A_234 = arith.constant 16 : i32
        %mul3A_235 = arith.muli %while3A_233, %mul3A_234 : i32
        %get3A = arith.index_cast %mul3A_235 : i32 to index
        %get3A_236 = tpu.vector_load %arg9[%get3A] {strides = array<i32>} : memref<2048xi32, #tpu.memory_space<vmem>>, vector<16xi32>,
        %get3A_237 = arith.index_cast %mul3A_235 : i32 to index
        %get3A_238 = tpu.vector_load %arg8[%get3A_237] {strides = array<i32>} : memref<2048xi32, #tpu.memory_space<vmem>>, vector<16xi32>,
        %shift_right_logical3A = arith.shrui %get3A_236, %get3A_238 : vector<16xi32>
        %and3A = arith.constant 1 : i32
        %and3A_239 = vector.broadcast %and3A : i32 to vector<16xi32>
        %and3A_240 = arith.andi %shift_right_logical3A, %and3A_239 : vector<16xi32>
        %swap3A = arith.index_cast %mul3A_235 : i32 to index
        %swap3A_241 = tpu.vector_load %arg10[%swap3A] {strides = array<i32>} : memref<2048xi32, #tpu.memory_space<vmem>>, vector<16xi32>,
        tpu.vector_store %arg10[%swap3A], %and3A_240 {strides = array<i32>} : memref<2048xi32, #tpu.memory_space<vmem>>, vector<16xi32>,
      }
      "tpu.region"() ({
        %run_scoped3A = tpu.sem_alloc : memref<!tpu.dma_semaphore, #tpu.memory_space<semaphore_mem>>
        %dma_start3A_233 = tpu.memref_slice %arg4[%add3A_18] : memref<8388608xi32, #tpu.memory_space<hbm>> -> memref<2048xi32, #tpu.memory_space<hbm>>
        %dma_start3A_234 = tpu.memref_slice %arg4[%add3A_18] : memref<8388608xi32, #tpu.memory_space<hbm>> -> memref<2048xi32, #tpu.memory_space<hbm>>
        tpu.enqueue_dma source(%arg10 : memref<2048xi32, #tpu.memory_space<vmem>>) target(%dma_start3A_234 : memref<2048xi32, #tpu.memory_space<hbm>>) target_semaphore(%run_scoped3A : memref<!tpu.dma_semaphore, #tpu.memory_space<semaphore_mem>>)
        %dma_wait3A_235 = tpu.memref_slice %arg4[%add3A_18] : memref<8388608xi32, #tpu.memory_space<hbm>> -> memref<2048xi32, #tpu.memory_space<hbm>>
        %dma_wait3A_236 = tpu.memref_slice %arg4[%add3A_18] : memref<8388608xi32, #tpu.memory_space<hbm>> -> memref<2048xi32, #tpu.memory_space<hbm>>
        tpu.wait_dma2 semaphore(%run_scoped3A : memref<!tpu.dma_semaphore, #tpu.memory_space<semaphore_mem>>) src(%arg10 : memref<2048xi32, #tpu.memory_space<vmem>>) dst(%dma_wait3A_236 : memref<2048xi32, #tpu.memory_space<hbm>>)
        tpu.yield
      }) : () -> ()
    }
    %while3A_14 = arith.constant 1 : i32
    scf.for %while3A_15 = %while3A_12 to %while3A_8 step %while3A_14  : i32 {
      %mul3A_16 = arith.constant 2048 : i32
      %mul3A_17 = arith.muli %while3A_15, %mul3A_16 : i32
      %add3A_18 = arith.addi %mul3A_4, %mul3A_17 : i32
      %mul3A_19 = arith.constant 2 : i32
      %mul3A_20 = arith.muli %add3A_18, %mul3A_19 : i32
      "tpu.region"() ({
        %run_scoped3A = tpu.sem_alloc : memref<!tpu.dma_semaphore, #tpu.memory_space<semaphore_mem>>
        %dma_start3A_233 = tpu.memref_slice %arg2[%mul3A_20] : memref<16777216xi32, #tpu.memory_space<hbm>> -> memref<4096xi32, #tpu.memory_space<hbm>>
        %dma_start3A_234 = tpu.memref_slice %arg2[%mul3A_20] : memref<16777216xi32, #tpu.memory_space<hbm>> -> memref<4096xi32, #tpu.memory_space<hbm>>
        tpu.enqueue_dma source(%dma_start3A_234 : memref<4096xi32, #tpu.memory_space<hbm>>) target(%arg6 : memref<4096xi32, #tpu.memory_space<vmem>>) target_semaphore(%run_scoped3A : memref<!tpu.dma_semaphore, #tpu.memory_space<semaphore_mem>>)
        %dma_wait3A_235 = tpu.memref_slice %arg2[%mul3A_20] : memref<16777216xi32, #tpu.memory_space<hbm>> -> memref<4096xi32, #tpu.memory_space<hbm>>
        %dma_wait3A_236 = tpu.memref_slice %arg2[%mul3A_20] : memref<16777216xi32, #tpu.memory_space<hbm>> -> memref<4096xi32, #tpu.memory_space<hbm>>
        tpu.wait_dma2 semaphore(%run_scoped3A : memref<!tpu.dma_semaphore, #tpu.memory_space<semaphore_mem>>) src(%dma_wait3A_236 : memref<4096xi32, #tpu.memory_space<hbm>>) dst(%arg6 : memref<4096xi32, #tpu.memory_space<vmem>>)
        tpu.yield
      }) : () -> ()
      %while3A_21 = arith.constant 0 : i32
      %while3A_22 = arith.constant 0 : i32
      %while3A_23 = arith.constant 128 : i32
      %while3A_24 = arith.subi %while3A_23, %while3A_22 : i32
      %while3A_25 = arith.addi %while3A_22, %while3A_24 : i32
      %while3A_26 = arith.constant 1 : i32
      %while3A_27 = arith.divsi %while3A_24, %while3A_26 : i32
      %while3A_28 = arith.muli %while3A_27, %while3A_26 : i32
      %while3A_29 = arith.addi %while3A_22, %while3A_28 : i32
      %while3A_30 = arith.constant 1 : i32
      scf.for %while3A_233 = %while3A_22 to %while3A_29 step %while3A_30  : i32 {
        %mul3A_234 = arith.constant 16 : i32
        %mul3A_235 = arith.muli %while3A_233, %mul3A_234 : i32
        %add3A_236 = vector.broadcast %mul3A_235 : i32 to vector<16xi32>
        %add3A_237 = arith.addi %iota3A, %add3A_236 : vector<16xi32>
        %mul3A_238 = arith.constant 2 : i32
        %mul3A_239 = vector.broadcast %mul3A_238 : i32 to vector<16xi32>
        %mul3A_240 = arith.muli %add3A_237, %mul3A_239 : vector<16xi32>
        %add3A_241 = arith.constant 1 : i32
        %add3A_242 = vector.broadcast %add3A_241 : i32 to vector<16xi32>
        %add3A_243 = arith.addi %mul3A_240, %add3A_242 : vector<16xi32>
        %gather3A = tpu.vector_load_idx %arg6[%add3A_243] : memref<4096xi32, #tpu.memory_space<vmem>>[vector<16xi32>], vector<16xi32>,
        %shift_right_logical3A = arith.constant 12 : i32
        %shift_right_logical3A_244 = vector.broadcast %shift_right_logical3A : i32 to vector<16xi32>
        %shift_right_logical3A_245 = arith.shrui %gather3A, %shift_right_logical3A_244 : vector<16xi32>
        %mul3A_246 = arith.constant 16 : i32
        %mul3A_247 = arith.muli %while3A_233, %mul3A_246 : i32
        %swap3A = arith.index_cast %mul3A_247 : i32 to index
        %swap3A_248 = tpu.vector_load %arg7[%swap3A] {strides = array<i32>} : memref<2048xi32, #tpu.memory_space<vmem>>, vector<16xi32>,
        tpu.vector_store %arg7[%swap3A], %shift_right_logical3A_245 {strides = array<i32>} : memref<2048xi32, #tpu.memory_space<vmem>>, vector<16xi32>,
        %shift_right_logical3A_249 = arith.constant 7 : i32
        %shift_right_logical3A_250 = vector.broadcast %shift_right_logical3A_249 : i32 to vector<16xi32>
        %shift_right_logical3A_251 = arith.shrui %gather3A, %shift_right_logical3A_250 : vector<16xi32>
        %and3A = arith.constant 31 : i32
        %and3A_252 = vector.broadcast %and3A : i32 to vector<16xi32>
        %and3A_253 = arith.andi %shift_right_logical3A_251, %and3A_252 : vector<16xi32>
        %mul3A_254 = arith.constant 16 : i32
        %mul3A_255 = arith.muli %while3A_233, %mul3A_254 : i32
        %swap3A_256 = arith.index_cast %mul3A_255 : i32 to index
        %swap3A_257 = tpu.vector_load %arg8[%swap3A_256] {strides = array<i32>} : memref<2048xi32, #tpu.memory_space<vmem>>, vector<16xi32>,
        tpu.vector_store %arg8[%swap3A_256], %and3A_253 {strides = array<i32>} : memref<2048xi32, #tpu.memory_space<vmem>>, vector<16xi32>,
      }
      %while3A_31 = arith.constant 1 : i32
      scf.for %while3A_233 = %while3A_29 to %while3A_25 step %while3A_31  : i32 {
        %mul3A_234 = arith.constant 16 : i32
        %mul3A_235 = arith.muli %while3A_233, %mul3A_234 : i32
        %add3A_236 = vector.broadcast %mul3A_235 : i32 to vector<16xi32>
        %add3A_237 = arith.addi %iota3A, %add3A_236 : vector<16xi32>
        %mul3A_238 = arith.constant 2 : i32
        %mul3A_239 = vector.broadcast %mul3A_238 : i32 to vector<16xi32>
        %mul3A_240 = arith.muli %add3A_237, %mul3A_239 : vector<16xi32>
        %add3A_241 = arith.constant 1 : i32
        %add3A_242 = vector.broadcast %add3A_241 : i32 to vector<16xi32>
        %add3A_243 = arith.addi %mul3A_240, %add3A_242 : vector<16xi32>
        %gather3A = tpu.vector_load_idx %arg6[%add3A_243] : memref<4096xi32, #tpu.memory_space<vmem>>[vector<16xi32>], vector<16xi32>,
        %shift_right_logical3A = arith.constant 12 : i32
        %shift_right_logical3A_244 = vector.broadcast %shift_right_logical3A : i32 to vector<16xi32>
        %shift_right_logical3A_245 = arith.shrui %gather3A, %shift_right_logical3A_244 : vector<16xi32>
        %mul3A_246 = arith.constant 16 : i32
        %mul3A_247 = arith.muli %while3A_233, %mul3A_246 : i32
        %swap3A = arith.index_cast %mul3A_247 : i32 to index
        %swap3A_248 = tpu.vector_load %arg7[%swap3A] {strides = array<i32>} : memref<2048xi32, #tpu.memory_space<vmem>>, vector<16xi32>,
        tpu.vector_store %arg7[%swap3A], %shift_right_logical3A_245 {strides = array<i32>} : memref<2048xi32, #tpu.memory_space<vmem>>, vector<16xi32>,
        %shift_right_logical3A_249 = arith.constant 7 : i32
        %shift_right_logical3A_250 = vector.broadcast %shift_right_logical3A_249 : i32 to vector<16xi32>
        %shift_right_logical3A_251 = arith.shrui %gather3A, %shift_right_logical3A_250 : vector<16xi32>
        %and3A = arith.constant 31 : i32
        %and3A_252 = vector.broadcast %and3A : i32 to vector<16xi32>
        %and3A_253 = arith.andi %shift_right_logical3A_251, %and3A_252 : vector<16xi32>
        %mul3A_254 = arith.constant 16 : i32
        %mul3A_255 = arith.muli %while3A_233, %mul3A_254 : i32
        %swap3A_256 = arith.index_cast %mul3A_255 : i32 to index
        %swap3A_257 = tpu.vector_load %arg8[%swap3A_256] {strides = array<i32>} : memref<2048xi32, #tpu.memory_space<vmem>>, vector<16xi32>,
        tpu.vector_store %arg8[%swap3A_256], %and3A_253 {strides = array<i32>} : memref<2048xi32, #tpu.memory_space<vmem>>, vector<16xi32>,
      }
      %dma_start3A = arith.constant 0 : i32
      %dma_start3A_32 = tpu.memref_slice %arg9[%dma_start3A] : memref<2048xi32, #tpu.memory_space<vmem>> -> memref<128xi32, #tpu.memory_space<vmem>>
      %dma_start3A_33 = arith.constant 0 : i32
      %dma_start3A_34 = tpu.memref_slice %arg7[%dma_start3A_33] : memref<2048xi32, #tpu.memory_space<vmem>> -> memref<128xi32, #tpu.memory_space<vmem>>
      %dma_start3A_35 = arith.constant 0 : i32
      %dma_start3A_36 = tpu.memref_slice %arg5[%dma_start3A_35] : memref<524288xi32, #tpu.memory_space<vmem_shared>> -> memref<524288xi32, #tpu.memory_space<vmem_shared>>
      tpu.enqueue_indirect_dma source(%dma_start3A_36 : memref<524288xi32, #tpu.memory_space<vmem_shared>>) target(%dma_start3A_32 : memref<128xi32, #tpu.memory_space<vmem>>) offsets(%dma_start3A_34 : memref<128xi32, #tpu.memory_space<vmem>>) semaphore(%arg11 : memref<!tpu.dma_semaphore, #tpu.memory_space<semaphore_mem>>)
      %dma_start3A_37 = arith.constant 128 : i32
      %dma_start3A_38 = tpu.memref_slice %arg9[%dma_start3A_37] : memref<2048xi32, #tpu.memory_space<vmem>> -> memref<128xi32, #tpu.memory_space<vmem>>
      %dma_start3A_39 = arith.constant 128 : i32
      %dma_start3A_40 = tpu.memref_slice %arg7[%dma_start3A_39] : memref<2048xi32, #tpu.memory_space<vmem>> -> memref<128xi32, #tpu.memory_space<vmem>>
      %dma_start3A_41 = arith.constant 0 : i32
      %dma_start3A_42 = tpu.memref_slice %arg5[%dma_start3A_41] : memref<524288xi32, #tpu.memory_space<vmem_shared>> -> memref<524288xi32, #tpu.memory_space<vmem_shared>>
      tpu.enqueue_indirect_dma source(%dma_start3A_42 : memref<524288xi32, #tpu.memory_space<vmem_shared>>) target(%dma_start3A_38 : memref<128xi32, #tpu.memory_space<vmem>>) offsets(%dma_start3A_40 : memref<128xi32, #tpu.memory_space<vmem>>) semaphore(%arg11 : memref<!tpu.dma_semaphore, #tpu.memory_space<semaphore_mem>>)
      %dma_start3A_43 = arith.constant 256 : i32
      %dma_start3A_44 = tpu.memref_slice %arg9[%dma_start3A_43] : memref<2048xi32, #tpu.memory_space<vmem>> -> memref<128xi32, #tpu.memory_space<vmem>>
      %dma_start3A_45 = arith.constant 256 : i32
      %dma_start3A_46 = tpu.memref_slice %arg7[%dma_start3A_45] : memref<2048xi32, #tpu.memory_space<vmem>> -> memref<128xi32, #tpu.memory_space<vmem>>
      %dma_start3A_47 = arith.constant 0 : i32
      %dma_start3A_48 = tpu.memref_slice %arg5[%dma_start3A_47] : memref<524288xi32, #tpu.memory_space<vmem_shared>> -> memref<524288xi32, #tpu.memory_space<vmem_shared>>
      tpu.enqueue_indirect_dma source(%dma_start3A_48 : memref<524288xi32, #tpu.memory_space<vmem_shared>>) target(%dma_start3A_44 : memref<128xi32, #tpu.memory_space<vmem>>) offsets(%dma_start3A_46 : memref<128xi32, #tpu.memory_space<vmem>>) semaphore(%arg11 : memref<!tpu.dma_semaphore, #tpu.memory_space<semaphore_mem>>)
      %dma_start3A_49 = arith.constant 384 : i32
      %dma_start3A_50 = tpu.memref_slice %arg9[%dma_start3A_49] : memref<2048xi32, #tpu.memory_space<vmem>> -> memref<128xi32, #tpu.memory_space<vmem>>
      %dma_start3A_51 = arith.constant 384 : i32
      %dma_start3A_52 = tpu.memref_slice %arg7[%dma_start3A_51] : memref<2048xi32, #tpu.memory_space<vmem>> -> memref<128xi32, #tpu.memory_space<vmem>>
      %dma_start3A_53 = arith.constant 0 : i32
      %dma_start3A_54 = tpu.memref_slice %arg5[%dma_start3A_53] : memref<524288xi32, #tpu.memory_space<vmem_shared>> -> memref<524288xi32, #tpu.memory_space<vmem_shared>>
      tpu.enqueue_indirect_dma source(%dma_start3A_54 : memref<524288xi32, #tpu.memory_space<vmem_shared>>) target(%dma_start3A_50 : memref<128xi32, #tpu.memory_space<vmem>>) offsets(%dma_start3A_52 : memref<128xi32, #tpu.memory_space<vmem>>) semaphore(%arg11 : memref<!tpu.dma_semaphore, #tpu.memory_space<semaphore_mem>>)
      %dma_start3A_55 = arith.constant 512 : i32
      %dma_start3A_56 = tpu.memref_slice %arg9[%dma_start3A_55] : memref<2048xi32, #tpu.memory_space<vmem>> -> memref<128xi32, #tpu.memory_space<vmem>>
      %dma_start3A_57 = arith.constant 512 : i32
      %dma_start3A_58 = tpu.memref_slice %arg7[%dma_start3A_57] : memref<2048xi32, #tpu.memory_space<vmem>> -> memref<128xi32, #tpu.memory_space<vmem>>
      %dma_start3A_59 = arith.constant 0 : i32
      %dma_start3A_60 = tpu.memref_slice %arg5[%dma_start3A_59] : memref<524288xi32, #tpu.memory_space<vmem_shared>> -> memref<524288xi32, #tpu.memory_space<vmem_shared>>
      tpu.enqueue_indirect_dma source(%dma_start3A_60 : memref<524288xi32, #tpu.memory_space<vmem_shared>>) target(%dma_start3A_56 : memref<128xi32, #tpu.memory_space<vmem>>) offsets(%dma_start3A_58 : memref<128xi32, #tpu.memory_space<vmem>>) semaphore(%arg11 : memref<!tpu.dma_semaphore, #tpu.memory_space<semaphore_mem>>)
      %dma_start3A_61 = arith.constant 640 : i32
      %dma_start3A_62 = tpu.memref_slice %arg9[%dma_start3A_61] : memref<2048xi32, #tpu.memory_space<vmem>> -> memref<128xi32, #tpu.memory_space<vmem>>
      %dma_start3A_63 = arith.constant 640 : i32
      %dma_start3A_64 = tpu.memref_slice %arg7[%dma_start3A_63] : memref<2048xi32, #tpu.memory_space<vmem>> -> memref<128xi32, #tpu.memory_space<vmem>>
      %dma_start3A_65 = arith.constant 0 : i32
      %dma_start3A_66 = tpu.memref_slice %arg5[%dma_start3A_65] : memref<524288xi32, #tpu.memory_space<vmem_shared>> -> memref<524288xi32, #tpu.memory_space<vmem_shared>>
      tpu.enqueue_indirect_dma source(%dma_start3A_66 : memref<524288xi32, #tpu.memory_space<vmem_shared>>) target(%dma_start3A_62 : memref<128xi32, #tpu.memory_space<vmem>>) offsets(%dma_start3A_64 : memref<128xi32, #tpu.memory_space<vmem>>) semaphore(%arg11 : memref<!tpu.dma_semaphore, #tpu.memory_space<semaphore_mem>>)
      %dma_start3A_67 = arith.constant 768 : i32
      %dma_start3A_68 = tpu.memref_slice %arg9[%dma_start3A_67] : memref<2048xi32, #tpu.memory_space<vmem>> -> memref<128xi32, #tpu.memory_space<vmem>>
      %dma_start3A_69 = arith.constant 768 : i32
      %dma_start3A_70 = tpu.memref_slice %arg7[%dma_start3A_69] : memref<2048xi32, #tpu.memory_space<vmem>> -> memref<128xi32, #tpu.memory_space<vmem>>
      %dma_start3A_71 = arith.constant 0 : i32
      %dma_start3A_72 = tpu.memref_slice %arg5[%dma_start3A_71] : memref<524288xi32, #tpu.memory_space<vmem_shared>> -> memref<524288xi32, #tpu.memory_space<vmem_shared>>
      tpu.enqueue_indirect_dma source(%dma_start3A_72 : memref<524288xi32, #tpu.memory_space<vmem_shared>>) target(%dma_start3A_68 : memref<128xi32, #tpu.memory_space<vmem>>) offsets(%dma_start3A_70 : memref<128xi32, #tpu.memory_space<vmem>>) semaphore(%arg11 : memref<!tpu.dma_semaphore, #tpu.memory_space<semaphore_mem>>)
      %dma_start3A_73 = arith.constant 896 : i32
      %dma_start3A_74 = tpu.memref_slice %arg9[%dma_start3A_73] : memref<2048xi32, #tpu.memory_space<vmem>> -> memref<128xi32, #tpu.memory_space<vmem>>
      %dma_start3A_75 = arith.constant 896 : i32
      %dma_start3A_76 = tpu.memref_slice %arg7[%dma_start3A_75] : memref<2048xi32, #tpu.memory_space<vmem>> -> memref<128xi32, #tpu.memory_space<vmem>>
      %dma_start3A_77 = arith.constant 0 : i32
      %dma_start3A_78 = tpu.memref_slice %arg5[%dma_start3A_77] : memref<524288xi32, #tpu.memory_space<vmem_shared>> -> memref<524288xi32, #tpu.memory_space<vmem_shared>>
      tpu.enqueue_indirect_dma source(%dma_start3A_78 : memref<524288xi32, #tpu.memory_space<vmem_shared>>) target(%dma_start3A_74 : memref<128xi32, #tpu.memory_space<vmem>>) offsets(%dma_start3A_76 : memref<128xi32, #tpu.memory_space<vmem>>) semaphore(%arg11 : memref<!tpu.dma_semaphore, #tpu.memory_space<semaphore_mem>>)
      %dma_start3A_79 = arith.constant 1024 : i32
      %dma_start3A_80 = tpu.memref_slice %arg9[%dma_start3A_79] : memref<2048xi32, #tpu.memory_space<vmem>> -> memref<128xi32, #tpu.memory_space<vmem>>
      %dma_start3A_81 = arith.constant 1024 : i32
      %dma_start3A_82 = tpu.memref_slice %arg7[%dma_start3A_81] : memref<2048xi32, #tpu.memory_space<vmem>> -> memref<128xi32, #tpu.memory_space<vmem>>
      %dma_start3A_83 = arith.constant 0 : i32
      %dma_start3A_84 = tpu.memref_slice %arg5[%dma_start3A_83] : memref<524288xi32, #tpu.memory_space<vmem_shared>> -> memref<524288xi32, #tpu.memory_space<vmem_shared>>
      tpu.enqueue_indirect_dma source(%dma_start3A_84 : memref<524288xi32, #tpu.memory_space<vmem_shared>>) target(%dma_start3A_80 : memref<128xi32, #tpu.memory_space<vmem>>) offsets(%dma_start3A_82 : memref<128xi32, #tpu.memory_space<vmem>>) semaphore(%arg11 : memref<!tpu.dma_semaphore, #tpu.memory_space<semaphore_mem>>)
      %dma_start3A_85 = arith.constant 1152 : i32
      %dma_start3A_86 = tpu.memref_slice %arg9[%dma_start3A_85] : memref<2048xi32, #tpu.memory_space<vmem>> -> memref<128xi32, #tpu.memory_space<vmem>>
      %dma_start3A_87 = arith.constant 1152 : i32
      %dma_start3A_88 = tpu.memref_slice %arg7[%dma_start3A_87] : memref<2048xi32, #tpu.memory_space<vmem>> -> memref<128xi32, #tpu.memory_space<vmem>>
      %dma_start3A_89 = arith.constant 0 : i32
      %dma_start3A_90 = tpu.memref_slice %arg5[%dma_start3A_89] : memref<524288xi32, #tpu.memory_space<vmem_shared>> -> memref<524288xi32, #tpu.memory_space<vmem_shared>>
      tpu.enqueue_indirect_dma source(%dma_start3A_90 : memref<524288xi32, #tpu.memory_space<vmem_shared>>) target(%dma_start3A_86 : memref<128xi32, #tpu.memory_space<vmem>>) offsets(%dma_start3A_88 : memref<128xi32, #tpu.memory_space<vmem>>) semaphore(%arg11 : memref<!tpu.dma_semaphore, #tpu.memory_space<semaphore_mem>>)
      %dma_start3A_91 = arith.constant 1280 : i32
      %dma_start3A_92 = tpu.memref_slice %arg9[%dma_start3A_91] : memref<2048xi32, #tpu.memory_space<vmem>> -> memref<128xi32, #tpu.memory_space<vmem>>
      %dma_start3A_93 = arith.constant 1280 : i32
      %dma_start3A_94 = tpu.memref_slice %arg7[%dma_start3A_93] : memref<2048xi32, #tpu.memory_space<vmem>> -> memref<128xi32, #tpu.memory_space<vmem>>
      %dma_start3A_95 = arith.constant 0 : i32
      %dma_start3A_96 = tpu.memref_slice %arg5[%dma_start3A_95] : memref<524288xi32, #tpu.memory_space<vmem_shared>> -> memref<524288xi32, #tpu.memory_space<vmem_shared>>
      tpu.enqueue_indirect_dma source(%dma_start3A_96 : memref<524288xi32, #tpu.memory_space<vmem_shared>>) target(%dma_start3A_92 : memref<128xi32, #tpu.memory_space<vmem>>) offsets(%dma_start3A_94 : memref<128xi32, #tpu.memory_space<vmem>>) semaphore(%arg11 : memref<!tpu.dma_semaphore, #tpu.memory_space<semaphore_mem>>)
      %dma_start3A_97 = arith.constant 1408 : i32
      %dma_start3A_98 = tpu.memref_slice %arg9[%dma_start3A_97] : memref<2048xi32, #tpu.memory_space<vmem>> -> memref<128xi32, #tpu.memory_space<vmem>>
      %dma_start3A_99 = arith.constant 1408 : i32
      %dma_start3A_100 = tpu.memref_slice %arg7[%dma_start3A_99] : memref<2048xi32, #tpu.memory_space<vmem>> -> memref<128xi32, #tpu.memory_space<vmem>>
      %dma_start3A_101 = arith.constant 0 : i32
      %dma_start3A_102 = tpu.memref_slice %arg5[%dma_start3A_101] : memref<524288xi32, #tpu.memory_space<vmem_shared>> -> memref<524288xi32, #tpu.memory_space<vmem_shared>>
      tpu.enqueue_indirect_dma source(%dma_start3A_102 : memref<524288xi32, #tpu.memory_space<vmem_shared>>) target(%dma_start3A_98 : memref<128xi32, #tpu.memory_space<vmem>>) offsets(%dma_start3A_100 : memref<128xi32, #tpu.memory_space<vmem>>) semaphore(%arg11 : memref<!tpu.dma_semaphore, #tpu.memory_space<semaphore_mem>>)
      %dma_start3A_103 = arith.constant 1536 : i32
      %dma_start3A_104 = tpu.memref_slice %arg9[%dma_start3A_103] : memref<2048xi32, #tpu.memory_space<vmem>> -> memref<128xi32, #tpu.memory_space<vmem>>
      %dma_start3A_105 = arith.constant 1536 : i32
      %dma_start3A_106 = tpu.memref_slice %arg7[%dma_start3A_105] : memref<2048xi32, #tpu.memory_space<vmem>> -> memref<128xi32, #tpu.memory_space<vmem>>
      %dma_start3A_107 = arith.constant 0 : i32
      %dma_start3A_108 = tpu.memref_slice %arg5[%dma_start3A_107] : memref<524288xi32, #tpu.memory_space<vmem_shared>> -> memref<524288xi32, #tpu.memory_space<vmem_shared>>
      tpu.enqueue_indirect_dma source(%dma_start3A_108 : memref<524288xi32, #tpu.memory_space<vmem_shared>>) target(%dma_start3A_104 : memref<128xi32, #tpu.memory_space<vmem>>) offsets(%dma_start3A_106 : memref<128xi32, #tpu.memory_space<vmem>>) semaphore(%arg11 : memref<!tpu.dma_semaphore, #tpu.memory_space<semaphore_mem>>)
      %dma_start3A_109 = arith.constant 1664 : i32
      %dma_start3A_110 = tpu.memref_slice %arg9[%dma_start3A_109] : memref<2048xi32, #tpu.memory_space<vmem>> -> memref<128xi32, #tpu.memory_space<vmem>>
      %dma_start3A_111 = arith.constant 1664 : i32
      %dma_start3A_112 = tpu.memref_slice %arg7[%dma_start3A_111] : memref<2048xi32, #tpu.memory_space<vmem>> -> memref<128xi32, #tpu.memory_space<vmem>>
      %dma_start3A_113 = arith.constant 0 : i32
      %dma_start3A_114 = tpu.memref_slice %arg5[%dma_start3A_113] : memref<524288xi32, #tpu.memory_space<vmem_shared>> -> memref<524288xi32, #tpu.memory_space<vmem_shared>>
      tpu.enqueue_indirect_dma source(%dma_start3A_114 : memref<524288xi32, #tpu.memory_space<vmem_shared>>) target(%dma_start3A_110 : memref<128xi32, #tpu.memory_space<vmem>>) offsets(%dma_start3A_112 : memref<128xi32, #tpu.memory_space<vmem>>) semaphore(%arg11 : memref<!tpu.dma_semaphore, #tpu.memory_space<semaphore_mem>>)
      %dma_start3A_115 = arith.constant 1792 : i32
      %dma_start3A_116 = tpu.memref_slice %arg9[%dma_start3A_115] : memref<2048xi32, #tpu.memory_space<vmem>> -> memref<128xi32, #tpu.memory_space<vmem>>
      %dma_start3A_117 = arith.constant 1792 : i32
      %dma_start3A_118 = tpu.memref_slice %arg7[%dma_start3A_117] : memref<2048xi32, #tpu.memory_space<vmem>> -> memref<128xi32, #tpu.memory_space<vmem>>
      %dma_start3A_119 = arith.constant 0 : i32
      %dma_start3A_120 = tpu.memref_slice %arg5[%dma_start3A_119] : memref<524288xi32, #tpu.memory_space<vmem_shared>> -> memref<524288xi32, #tpu.memory_space<vmem_shared>>
      tpu.enqueue_indirect_dma source(%dma_start3A_120 : memref<524288xi32, #tpu.memory_space<vmem_shared>>) target(%dma_start3A_116 : memref<128xi32, #tpu.memory_space<vmem>>) offsets(%dma_start3A_118 : memref<128xi32, #tpu.memory_space<vmem>>) semaphore(%arg11 : memref<!tpu.dma_semaphore, #tpu.memory_space<semaphore_mem>>)
      %dma_start3A_121 = arith.constant 1920 : i32
      %dma_start3A_122 = tpu.memref_slice %arg9[%dma_start3A_121] : memref<2048xi32, #tpu.memory_space<vmem>> -> memref<128xi32, #tpu.memory_space<vmem>>
      %dma_start3A_123 = arith.constant 1920 : i32
      %dma_start3A_124 = tpu.memref_slice %arg7[%dma_start3A_123] : memref<2048xi32, #tpu.memory_space<vmem>> -> memref<128xi32, #tpu.memory_space<vmem>>
      %dma_start3A_125 = arith.constant 0 : i32
      %dma_start3A_126 = tpu.memref_slice %arg5[%dma_start3A_125] : memref<524288xi32, #tpu.memory_space<vmem_shared>> -> memref<524288xi32, #tpu.memory_space<vmem_shared>>
      tpu.enqueue_indirect_dma source(%dma_start3A_126 : memref<524288xi32, #tpu.memory_space<vmem_shared>>) target(%dma_start3A_122 : memref<128xi32, #tpu.memory_space<vmem>>) offsets(%dma_start3A_124 : memref<128xi32, #tpu.memory_space<vmem>>) semaphore(%arg11 : memref<!tpu.dma_semaphore, #tpu.memory_space<semaphore_mem>>)
      %dma_wait3A = arith.constant 0 : i32
      %dma_wait3A_127 = tpu.memref_slice %arg9[%dma_wait3A] : memref<2048xi32, #tpu.memory_space<vmem>> -> memref<128xi32, #tpu.memory_space<vmem>>
      %dma_wait3A_128 = arith.constant 0 : i32
      %dma_wait3A_129 = tpu.memref_slice %arg7[%dma_wait3A_128] : memref<2048xi32, #tpu.memory_space<vmem>> -> memref<128xi32, #tpu.memory_space<vmem>>
      %dma_wait3A_130 = arith.constant 0 : i32
      %dma_wait3A_131 = tpu.memref_slice %arg5[%dma_wait3A_130] : memref<524288xi32, #tpu.memory_space<vmem_shared>> -> memref<524288xi32, #tpu.memory_space<vmem_shared>>
      tpu.wait_indirect_dma semaphore(%arg11 : memref<!tpu.dma_semaphore, #tpu.memory_space<semaphore_mem>>) src(%dma_wait3A_131 : memref<524288xi32, #tpu.memory_space<vmem_shared>>) dst(%dma_wait3A_127 : memref<128xi32, #tpu.memory_space<vmem>>)
      %dma_wait3A_132 = arith.constant 128 : i32
      %dma_wait3A_133 = tpu.memref_slice %arg9[%dma_wait3A_132] : memref<2048xi32, #tpu.memory_space<vmem>> -> memref<128xi32, #tpu.memory_space<vmem>>
      %dma_wait3A_134 = arith.constant 128 : i32
      %dma_wait3A_135 = tpu.memref_slice %arg7[%dma_wait3A_134] : memref<2048xi32, #tpu.memory_space<vmem>> -> memref<128xi32, #tpu.memory_space<vmem>>
      %dma_wait3A_136 = arith.constant 0 : i32
      %dma_wait3A_137 = tpu.memref_slice %arg5[%dma_wait3A_136] : memref<524288xi32, #tpu.memory_space<vmem_shared>> -> memref<524288xi32, #tpu.memory_space<vmem_shared>>
      tpu.wait_indirect_dma semaphore(%arg11 : memref<!tpu.dma_semaphore, #tpu.memory_space<semaphore_mem>>) src(%dma_wait3A_137 : memref<524288xi32, #tpu.memory_space<vmem_shared>>) dst(%dma_wait3A_133 : memref<128xi32, #tpu.memory_space<vmem>>)
      %dma_wait3A_138 = arith.constant 256 : i32
      %dma_wait3A_139 = tpu.memref_slice %arg9[%dma_wait3A_138] : memref<2048xi32, #tpu.memory_space<vmem>> -> memref<128xi32, #tpu.memory_space<vmem>>
      %dma_wait3A_140 = arith.constant 256 : i32
      %dma_wait3A_141 = tpu.memref_slice %arg7[%dma_wait3A_140] : memref<2048xi32, #tpu.memory_space<vmem>> -> memref<128xi32, #tpu.memory_space<vmem>>
      %dma_wait3A_142 = arith.constant 0 : i32
      %dma_wait3A_143 = tpu.memref_slice %arg5[%dma_wait3A_142] : memref<524288xi32, #tpu.memory_space<vmem_shared>> -> memref<524288xi32, #tpu.memory_space<vmem_shared>>
      tpu.wait_indirect_dma semaphore(%arg11 : memref<!tpu.dma_semaphore, #tpu.memory_space<semaphore_mem>>) src(%dma_wait3A_143 : memref<524288xi32, #tpu.memory_space<vmem_shared>>) dst(%dma_wait3A_139 : memref<128xi32, #tpu.memory_space<vmem>>)
      %dma_wait3A_144 = arith.constant 384 : i32
      %dma_wait3A_145 = tpu.memref_slice %arg9[%dma_wait3A_144] : memref<2048xi32, #tpu.memory_space<vmem>> -> memref<128xi32, #tpu.memory_space<vmem>>
      %dma_wait3A_146 = arith.constant 384 : i32
      %dma_wait3A_147 = tpu.memref_slice %arg7[%dma_wait3A_146] : memref<2048xi32, #tpu.memory_space<vmem>> -> memref<128xi32, #tpu.memory_space<vmem>>
      %dma_wait3A_148 = arith.constant 0 : i32
      %dma_wait3A_149 = tpu.memref_slice %arg5[%dma_wait3A_148] : memref<524288xi32, #tpu.memory_space<vmem_shared>> -> memref<524288xi32, #tpu.memory_space<vmem_shared>>
      tpu.wait_indirect_dma semaphore(%arg11 : memref<!tpu.dma_semaphore, #tpu.memory_space<semaphore_mem>>) src(%dma_wait3A_149 : memref<524288xi32, #tpu.memory_space<vmem_shared>>) dst(%dma_wait3A_145 : memref<128xi32, #tpu.memory_space<vmem>>)
      %dma_wait3A_150 = arith.constant 512 : i32
      %dma_wait3A_151 = tpu.memref_slice %arg9[%dma_wait3A_150] : memref<2048xi32, #tpu.memory_space<vmem>> -> memref<128xi32, #tpu.memory_space<vmem>>
      %dma_wait3A_152 = arith.constant 512 : i32
      %dma_wait3A_153 = tpu.memref_slice %arg7[%dma_wait3A_152] : memref<2048xi32, #tpu.memory_space<vmem>> -> memref<128xi32, #tpu.memory_space<vmem>>
      %dma_wait3A_154 = arith.constant 0 : i32
      %dma_wait3A_155 = tpu.memref_slice %arg5[%dma_wait3A_154] : memref<524288xi32, #tpu.memory_space<vmem_shared>> -> memref<524288xi32, #tpu.memory_space<vmem_shared>>
      tpu.wait_indirect_dma semaphore(%arg11 : memref<!tpu.dma_semaphore, #tpu.memory_space<semaphore_mem>>) src(%dma_wait3A_155 : memref<524288xi32, #tpu.memory_space<vmem_shared>>) dst(%dma_wait3A_151 : memref<128xi32, #tpu.memory_space<vmem>>)
      %dma_wait3A_156 = arith.constant 640 : i32
      %dma_wait3A_157 = tpu.memref_slice %arg9[%dma_wait3A_156] : memref<2048xi32, #tpu.memory_space<vmem>> -> memref<128xi32, #tpu.memory_space<vmem>>
      %dma_wait3A_158 = arith.constant 640 : i32
      %dma_wait3A_159 = tpu.memref_slice %arg7[%dma_wait3A_158] : memref<2048xi32, #tpu.memory_space<vmem>> -> memref<128xi32, #tpu.memory_space<vmem>>
      %dma_wait3A_160 = arith.constant 0 : i32
      %dma_wait3A_161 = tpu.memref_slice %arg5[%dma_wait3A_160] : memref<524288xi32, #tpu.memory_space<vmem_shared>> -> memref<524288xi32, #tpu.memory_space<vmem_shared>>
      tpu.wait_indirect_dma semaphore(%arg11 : memref<!tpu.dma_semaphore, #tpu.memory_space<semaphore_mem>>) src(%dma_wait3A_161 : memref<524288xi32, #tpu.memory_space<vmem_shared>>) dst(%dma_wait3A_157 : memref<128xi32, #tpu.memory_space<vmem>>)
      %dma_wait3A_162 = arith.constant 768 : i32
      %dma_wait3A_163 = tpu.memref_slice %arg9[%dma_wait3A_162] : memref<2048xi32, #tpu.memory_space<vmem>> -> memref<128xi32, #tpu.memory_space<vmem>>
      %dma_wait3A_164 = arith.constant 768 : i32
      %dma_wait3A_165 = tpu.memref_slice %arg7[%dma_wait3A_164] : memref<2048xi32, #tpu.memory_space<vmem>> -> memref<128xi32, #tpu.memory_space<vmem>>
      %dma_wait3A_166 = arith.constant 0 : i32
      %dma_wait3A_167 = tpu.memref_slice %arg5[%dma_wait3A_166] : memref<524288xi32, #tpu.memory_space<vmem_shared>> -> memref<524288xi32, #tpu.memory_space<vmem_shared>>
      tpu.wait_indirect_dma semaphore(%arg11 : memref<!tpu.dma_semaphore, #tpu.memory_space<semaphore_mem>>) src(%dma_wait3A_167 : memref<524288xi32, #tpu.memory_space<vmem_shared>>) dst(%dma_wait3A_163 : memref<128xi32, #tpu.memory_space<vmem>>)
      %dma_wait3A_168 = arith.constant 896 : i32
      %dma_wait3A_169 = tpu.memref_slice %arg9[%dma_wait3A_168] : memref<2048xi32, #tpu.memory_space<vmem>> -> memref<128xi32, #tpu.memory_space<vmem>>
      %dma_wait3A_170 = arith.constant 896 : i32
      %dma_wait3A_171 = tpu.memref_slice %arg7[%dma_wait3A_170] : memref<2048xi32, #tpu.memory_space<vmem>> -> memref<128xi32, #tpu.memory_space<vmem>>
      %dma_wait3A_172 = arith.constant 0 : i32
      %dma_wait3A_173 = tpu.memref_slice %arg5[%dma_wait3A_172] : memref<524288xi32, #tpu.memory_space<vmem_shared>> -> memref<524288xi32, #tpu.memory_space<vmem_shared>>
      tpu.wait_indirect_dma semaphore(%arg11 : memref<!tpu.dma_semaphore, #tpu.memory_space<semaphore_mem>>) src(%dma_wait3A_173 : memref<524288xi32, #tpu.memory_space<vmem_shared>>) dst(%dma_wait3A_169 : memref<128xi32, #tpu.memory_space<vmem>>)
      %dma_wait3A_174 = arith.constant 1024 : i32
      %dma_wait3A_175 = tpu.memref_slice %arg9[%dma_wait3A_174] : memref<2048xi32, #tpu.memory_space<vmem>> -> memref<128xi32, #tpu.memory_space<vmem>>
      %dma_wait3A_176 = arith.constant 1024 : i32
      %dma_wait3A_177 = tpu.memref_slice %arg7[%dma_wait3A_176] : memref<2048xi32, #tpu.memory_space<vmem>> -> memref<128xi32, #tpu.memory_space<vmem>>
      %dma_wait3A_178 = arith.constant 0 : i32
      %dma_wait3A_179 = tpu.memref_slice %arg5[%dma_wait3A_178] : memref<524288xi32, #tpu.memory_space<vmem_shared>> -> memref<524288xi32, #tpu.memory_space<vmem_shared>>
      tpu.wait_indirect_dma semaphore(%arg11 : memref<!tpu.dma_semaphore, #tpu.memory_space<semaphore_mem>>) src(%dma_wait3A_179 : memref<524288xi32, #tpu.memory_space<vmem_shared>>) dst(%dma_wait3A_175 : memref<128xi32, #tpu.memory_space<vmem>>)
      %dma_wait3A_180 = arith.constant 1152 : i32
      %dma_wait3A_181 = tpu.memref_slice %arg9[%dma_wait3A_180] : memref<2048xi32, #tpu.memory_space<vmem>> -> memref<128xi32, #tpu.memory_space<vmem>>
      %dma_wait3A_182 = arith.constant 1152 : i32
      %dma_wait3A_183 = tpu.memref_slice %arg7[%dma_wait3A_182] : memref<2048xi32, #tpu.memory_space<vmem>> -> memref<128xi32, #tpu.memory_space<vmem>>
      %dma_wait3A_184 = arith.constant 0 : i32
      %dma_wait3A_185 = tpu.memref_slice %arg5[%dma_wait3A_184] : memref<524288xi32, #tpu.memory_space<vmem_shared>> -> memref<524288xi32, #tpu.memory_space<vmem_shared>>
      tpu.wait_indirect_dma semaphore(%arg11 : memref<!tpu.dma_semaphore, #tpu.memory_space<semaphore_mem>>) src(%dma_wait3A_185 : memref<524288xi32, #tpu.memory_space<vmem_shared>>) dst(%dma_wait3A_181 : memref<128xi32, #tpu.memory_space<vmem>>)
      %dma_wait3A_186 = arith.constant 1280 : i32
      %dma_wait3A_187 = tpu.memref_slice %arg9[%dma_wait3A_186] : memref<2048xi32, #tpu.memory_space<vmem>> -> memref<128xi32, #tpu.memory_space<vmem>>
      %dma_wait3A_188 = arith.constant 1280 : i32
      %dma_wait3A_189 = tpu.memref_slice %arg7[%dma_wait3A_188] : memref<2048xi32, #tpu.memory_space<vmem>> -> memref<128xi32, #tpu.memory_space<vmem>>
      %dma_wait3A_190 = arith.constant 0 : i32
      %dma_wait3A_191 = tpu.memref_slice %arg5[%dma_wait3A_190] : memref<524288xi32, #tpu.memory_space<vmem_shared>> -> memref<524288xi32, #tpu.memory_space<vmem_shared>>
      tpu.wait_indirect_dma semaphore(%arg11 : memref<!tpu.dma_semaphore, #tpu.memory_space<semaphore_mem>>) src(%dma_wait3A_191 : memref<524288xi32, #tpu.memory_space<vmem_shared>>) dst(%dma_wait3A_187 : memref<128xi32, #tpu.memory_space<vmem>>)
      %dma_wait3A_192 = arith.constant 1408 : i32
      %dma_wait3A_193 = tpu.memref_slice %arg9[%dma_wait3A_192] : memref<2048xi32, #tpu.memory_space<vmem>> -> memref<128xi32, #tpu.memory_space<vmem>>
      %dma_wait3A_194 = arith.constant 1408 : i32
      %dma_wait3A_195 = tpu.memref_slice %arg7[%dma_wait3A_194] : memref<2048xi32, #tpu.memory_space<vmem>> -> memref<128xi32, #tpu.memory_space<vmem>>
      %dma_wait3A_196 = arith.constant 0 : i32
      %dma_wait3A_197 = tpu.memref_slice %arg5[%dma_wait3A_196] : memref<524288xi32, #tpu.memory_space<vmem_shared>> -> memref<524288xi32, #tpu.memory_space<vmem_shared>>
      tpu.wait_indirect_dma semaphore(%arg11 : memref<!tpu.dma_semaphore, #tpu.memory_space<semaphore_mem>>) src(%dma_wait3A_197 : memref<524288xi32, #tpu.memory_space<vmem_shared>>) dst(%dma_wait3A_193 : memref<128xi32, #tpu.memory_space<vmem>>)
      %dma_wait3A_198 = arith.constant 1536 : i32
      %dma_wait3A_199 = tpu.memref_slice %arg9[%dma_wait3A_198] : memref<2048xi32, #tpu.memory_space<vmem>> -> memref<128xi32, #tpu.memory_space<vmem>>
      %dma_wait3A_200 = arith.constant 1536 : i32
      %dma_wait3A_201 = tpu.memref_slice %arg7[%dma_wait3A_200] : memref<2048xi32, #tpu.memory_space<vmem>> -> memref<128xi32, #tpu.memory_space<vmem>>
      %dma_wait3A_202 = arith.constant 0 : i32
      %dma_wait3A_203 = tpu.memref_slice %arg5[%dma_wait3A_202] : memref<524288xi32, #tpu.memory_space<vmem_shared>> -> memref<524288xi32, #tpu.memory_space<vmem_shared>>
      tpu.wait_indirect_dma semaphore(%arg11 : memref<!tpu.dma_semaphore, #tpu.memory_space<semaphore_mem>>) src(%dma_wait3A_203 : memref<524288xi32, #tpu.memory_space<vmem_shared>>) dst(%dma_wait3A_199 : memref<128xi32, #tpu.memory_space<vmem>>)
      %dma_wait3A_204 = arith.constant 1664 : i32
      %dma_wait3A_205 = tpu.memref_slice %arg9[%dma_wait3A_204] : memref<2048xi32, #tpu.memory_space<vmem>> -> memref<128xi32, #tpu.memory_space<vmem>>
      %dma_wait3A_206 = arith.constant 1664 : i32
      %dma_wait3A_207 = tpu.memref_slice %arg7[%dma_wait3A_206] : memref<2048xi32, #tpu.memory_space<vmem>> -> memref<128xi32, #tpu.memory_space<vmem>>
      %dma_wait3A_208 = arith.constant 0 : i32
      %dma_wait3A_209 = tpu.memref_slice %arg5[%dma_wait3A_208] : memref<524288xi32, #tpu.memory_space<vmem_shared>> -> memref<524288xi32, #tpu.memory_space<vmem_shared>>
      tpu.wait_indirect_dma semaphore(%arg11 : memref<!tpu.dma_semaphore, #tpu.memory_space<semaphore_mem>>) src(%dma_wait3A_209 : memref<524288xi32, #tpu.memory_space<vmem_shared>>) dst(%dma_wait3A_205 : memref<128xi32, #tpu.memory_space<vmem>>)
      %dma_wait3A_210 = arith.constant 1792 : i32
      %dma_wait3A_211 = tpu.memref_slice %arg9[%dma_wait3A_210] : memref<2048xi32, #tpu.memory_space<vmem>> -> memref<128xi32, #tpu.memory_space<vmem>>
      %dma_wait3A_212 = arith.constant 1792 : i32
      %dma_wait3A_213 = tpu.memref_slice %arg7[%dma_wait3A_212] : memref<2048xi32, #tpu.memory_space<vmem>> -> memref<128xi32, #tpu.memory_space<vmem>>
      %dma_wait3A_214 = arith.constant 0 : i32
      %dma_wait3A_215 = tpu.memref_slice %arg5[%dma_wait3A_214] : memref<524288xi32, #tpu.memory_space<vmem_shared>> -> memref<524288xi32, #tpu.memory_space<vmem_shared>>
      tpu.wait_indirect_dma semaphore(%arg11 : memref<!tpu.dma_semaphore, #tpu.memory_space<semaphore_mem>>) src(%dma_wait3A_215 : memref<524288xi32, #tpu.memory_space<vmem_shared>>) dst(%dma_wait3A_211 : memref<128xi32, #tpu.memory_space<vmem>>)
      %dma_wait3A_216 = arith.constant 1920 : i32
      %dma_wait3A_217 = tpu.memref_slice %arg9[%dma_wait3A_216] : memref<2048xi32, #tpu.memory_space<vmem>> -> memref<128xi32, #tpu.memory_space<vmem>>
      %dma_wait3A_218 = arith.constant 1920 : i32
      %dma_wait3A_219 = tpu.memref_slice %arg7[%dma_wait3A_218] : memref<2048xi32, #tpu.memory_space<vmem>> -> memref<128xi32, #tpu.memory_space<vmem>>
      %dma_wait3A_220 = arith.constant 0 : i32
      %dma_wait3A_221 = tpu.memref_slice %arg5[%dma_wait3A_220] : memref<524288xi32, #tpu.memory_space<vmem_shared>> -> memref<524288xi32, #tpu.memory_space<vmem_shared>>
      tpu.wait_indirect_dma semaphore(%arg11 : memref<!tpu.dma_semaphore, #tpu.memory_space<semaphore_mem>>) src(%dma_wait3A_221 : memref<524288xi32, #tpu.memory_space<vmem_shared>>) dst(%dma_wait3A_217 : memref<128xi32, #tpu.memory_space<vmem>>)
      %while3A_222 = arith.constant 0 : i32
      %while3A_223 = arith.constant 0 : i32
      %while3A_224 = arith.constant 128 : i32
      %while3A_225 = arith.subi %while3A_224, %while3A_223 : i32
      %while3A_226 = arith.addi %while3A_223, %while3A_225 : i32
      %while3A_227 = arith.constant 1 : i32
      %while3A_228 = arith.divsi %while3A_225, %while3A_227 : i32
      %while3A_229 = arith.muli %while3A_228, %while3A_227 : i32
      %while3A_230 = arith.addi %while3A_223, %while3A_229 : i32
      %while3A_231 = arith.constant 1 : i32
      scf.for %while3A_233 = %while3A_223 to %while3A_230 step %while3A_231  : i32 {
        %mul3A_234 = arith.constant 16 : i32
        %mul3A_235 = arith.muli %while3A_233, %mul3A_234 : i32
        %get3A = arith.index_cast %mul3A_235 : i32 to index
        %get3A_236 = tpu.vector_load %arg9[%get3A] {strides = array<i32>} : memref<2048xi32, #tpu.memory_space<vmem>>, vector<16xi32>,
        %get3A_237 = arith.index_cast %mul3A_235 : i32 to index
        %get3A_238 = tpu.vector_load %arg8[%get3A_237] {strides = array<i32>} : memref<2048xi32, #tpu.memory_space<vmem>>, vector<16xi32>,
        %shift_right_logical3A = arith.shrui %get3A_236, %get3A_238 : vector<16xi32>
        %and3A = arith.constant 1 : i32
        %and3A_239 = vector.broadcast %and3A : i32 to vector<16xi32>
        %and3A_240 = arith.andi %shift_right_logical3A, %and3A_239 : vector<16xi32>
        %swap3A = arith.index_cast %mul3A_235 : i32 to index
        %swap3A_241 = tpu.vector_load %arg10[%swap3A] {strides = array<i32>} : memref<2048xi32, #tpu.memory_space<vmem>>, vector<16xi32>,
        tpu.vector_store %arg10[%swap3A], %and3A_240 {strides = array<i32>} : memref<2048xi32, #tpu.memory_space<vmem>>, vector<16xi32>,
      }
      %while3A_232 = arith.constant 1 : i32
      scf.for %while3A_233 = %while3A_230 to %while3A_226 step %while3A_232  : i32 {
        %mul3A_234 = arith.constant 16 : i32
        %mul3A_235 = arith.muli %while3A_233, %mul3A_234 : i32
        %get3A = arith.index_cast %mul3A_235 : i32 to index
        %get3A_236 = tpu.vector_load %arg9[%get3A] {strides = array<i32>} : memref<2048xi32, #tpu.memory_space<vmem>>, vector<16xi32>,
        %get3A_237 = arith.index_cast %mul3A_235 : i32 to index
        %get3A_238 = tpu.vector_load %arg8[%get3A_237] {strides = array<i32>} : memref<2048xi32, #tpu.memory_space<vmem>>, vector<16xi32>,
        %shift_right_logical3A = arith.shrui %get3A_236, %get3A_238 : vector<16xi32>
        %and3A = arith.constant 1 : i32
        %and3A_239 = vector.broadcast %and3A : i32 to vector<16xi32>
        %and3A_240 = arith.andi %shift_right_logical3A, %and3A_239 : vector<16xi32>
        %swap3A = arith.index_cast %mul3A_235 : i32 to index
        %swap3A_241 = tpu.vector_load %arg10[%swap3A] {strides = array<i32>} : memref<2048xi32, #tpu.memory_space<vmem>>, vector<16xi32>,
        tpu.vector_store %arg10[%swap3A], %and3A_240 {strides = array<i32>} : memref<2048xi32, #tpu.memory_space<vmem>>, vector<16xi32>,
      }
      "tpu.region"() ({
        %run_scoped3A = tpu.sem_alloc : memref<!tpu.dma_semaphore, #tpu.memory_space<semaphore_mem>>
        %dma_start3A_233 = tpu.memref_slice %arg4[%add3A_18] : memref<8388608xi32, #tpu.memory_space<hbm>> -> memref<2048xi32, #tpu.memory_space<hbm>>
        %dma_start3A_234 = tpu.memref_slice %arg4[%add3A_18] : memref<8388608xi32, #tpu.memory_space<hbm>> -> memref<2048xi32, #tpu.memory_space<hbm>>
        tpu.enqueue_dma source(%arg10 : memref<2048xi32, #tpu.memory_space<vmem>>) target(%dma_start3A_234 : memref<2048xi32, #tpu.memory_space<hbm>>) target_semaphore(%run_scoped3A : memref<!tpu.dma_semaphore, #tpu.memory_space<semaphore_mem>>)
        %dma_wait3A_235 = tpu.memref_slice %arg4[%add3A_18] : memref<8388608xi32, #tpu.memory_space<hbm>> -> memref<2048xi32, #tpu.memory_space<hbm>>
        %dma_wait3A_236 = tpu.memref_slice %arg4[%add3A_18] : memref<8388608xi32, #tpu.memory_space<hbm>> -> memref<2048xi32, #tpu.memory_space<hbm>>
        tpu.wait_dma2 semaphore(%run_scoped3A : memref<!tpu.dma_semaphore, #tpu.memory_space<semaphore_mem>>) src(%arg10 : memref<2048xi32, #tpu.memory_space<vmem>>) dst(%dma_wait3A_236 : memref<2048xi32, #tpu.memory_space<hbm>>)
        tpu.yield
      }) : () -> ()
    }
    return
  }
}

</mosaic_0001>

<sc_bundles>
// kernel: kernel.3.cloned.1.call-start
scs
__scs_entry_jumppad:
0x0: {  	(pc) =	sbr.rel $0x88, $3  }
0x1: {  	(tag) =	ssettag $0x0;
	lr =	simm.s32 $0x1  }
0x2: {  	[smem:$0x3F9F] =	sst lr;
	_ =	strace $0xD0000000  }
0x3: {  	_ = 	snop  }
0x4: {  	_ = 	snop  }
0x5: {  	_ = 	snop  }
0x6: {  	_ = 	snop  }
0x7: {  	_ = 	snop  }
__scs_overlays_trampoline_lowered:
0x8: {  	[smem:$0x3FAE] =	sst s0  }
0x9: {  	[smem:$0x3FAF] =	sst s1  }
0xa: {  	[smem:$0x3FB0] =	sst s2  }
0xb: {  	[smem:$0x3FB1] =	sst s3  }
0xc: {  	[smem:$0x3FB2] =	sst s4  }
0xd: {  	[smem:$0x3FB3] =	sst s5  }
0xe: {  	[smem:$0x3FB4] =	sst s6  }
0xf: {  	[smem:$0x3FB5] =	sst s7  }
0x10: {  	[smem:$0x3FB6] =	sst s8  }
0x11: {  	[smem:$0x3FB7] =	sst s9;
	s0 =	simm.s32 @!p0 $0x0  }
0x12: {  	s1 =	sld [smem:$0x3F9D];
	s0 =	simm.s32 @p0 $0x1  }
0x13: {  	[smem:$0x3FB8] =	sst s0;
	s0 =	simm.s32 @!p1 $0x0  }
0x14: {  	s2 =	sld [smem:$0x3F9C];
	s0 =	simm.s32 @p1 $0x1  }
0x15: {  	[smem:$0x3FB9] =	sst s0;
	s0 =	simm.s32 @!p2 $0x0  }
0x16: {  	s3 =	sld [smem:$0x3FDB];
	s0 =	simm.s32 @p2 $0x1  }
0x17: {  	s4 =	simm.s32 $0x1BF5;
	[smem:$0x3FBB] =	sst s0  }
0x18: {  	s0 =	sld [smem:$0x3F9E];
	_ =	swait.ge [sflag:s4], $0x0  }
0x19: {  	s7 =	sld [smem:$0x3F9F]  }
0x1a: {  	s8 =	sadd.s32 $0xFFFFE003, lr  }
0x1b: {  	s9 =	sadd.s32 $0xFFFFFEF7, lr;
	s5 =	simm.s32 $0xFFFFFFFF;
	p2 =	slt.u32 s8, $0xFFFFF086  }
0x1c: {  	p1 =	slt.u32 s9, $0xF7A;
	s5 =	simm.s32 @!p2 $0x0  }
0x1d: {  	s5 =	simm.s32 @p1 $0x1;
	p0 =	seq.s32 s7, s2  }
0x1e: {  	s7 =	smul.u32 @!p0 $0xF7A, s2;
	p2 =	seq.s32 @!p0 s5, $0x0  }
0x1f: {  	s9 =	smul.u32 $0xF7A, s1;
	s8 =	simm.s32 @!p0 $0x1BF5;
	p2 =	por !p2, p0  }
0x20: {  	[sflag:s8] =	ssyncset.s32 @!p0 $0xFFFFF086;
	s6 =	sadd.s32 @!p0 s3, s7;
	s7 =	simm.s32 @!p0 $0x108  }
0x21: {  	s3 =	sadd.s32 s3, s9;
	s6 =	sadd.s32 @!p0 $0x88, s6;
	s7 =	simm.s32 @p2 $0x1082  }
0x22: {  	[simem:s7], [sflag:s8] =	dma.local @!p0 [hbm:s6], $0xF7A  }
0x23: {  	s9 =	sor.u32 $0xD0000000, s2;
	s6 =	simm.s32 $0x108;
	_ =	swait.ge @!p0 [sflag:s8], $0x0  }
0x24: {  	s3 =	sadd.s32 $0x88, s3;
	s6 =	simm.s32 @!p1 $0x1082;
	[sflag:s4] =	ssyncset.s32 $0xFFFFF086  }
0x25: {  	[simem:s6], [sflag:s4] =	dma.local [hbm:s3], $0xF7A  }
0x26: {  	[smem:$0x3F9F] =	sst s1;
	(tag) =	ssettag s2;
	_ =	strace s9  }
0x27: {  	s1 =	sld [smem:$0x3FAF]  }
0x28: {  	s2 =	sld [smem:$0x3FB0]  }
0x29: {  	s4 =	sld [smem:$0x3FB2]  }
0x2a: {  	p0 =	seq.s32 s5, $0x0;
	s5 =	sld [smem:$0x3FB3]  }
0x2b: {  	s6 =	sld [smem:$0x3FB4]  }
0x2c: {  	s7 =	sld [smem:$0x3FB5]  }
0x2d: {  	s3 =	simm.s32 $0x108;
	s8 =	sld [smem:$0x3FB6]  }
0x2e: {  	s3 =	simm.s32 @!p0 $0x1082;
	s9 =	sld [smem:$0x3FB7]  }
0x2f: {  	lr =	sadd.s32 s0, s3;
	s0 =	sld [smem:$0x3FAE]  }
0x30: {  	s3 =	sld [smem:$0x3FB1]  }
0x31: {  	[smem:$0x3FBA] =	sst s10  }
0x32: {  	s10 =	sld [smem:$0x3FB8];
	_ =	sdelay $0x3  }
0x33: {  	p0 =	seq.s32 s10, $0x1;
	s10 =	sld [smem:$0x3FBA];
	_ =	sdelay $0x3  }
0x34: {  	[smem:$0x3FBA] =	sst s10  }
0x35: {  	s10 =	sld [smem:$0x3FB9];
	_ =	sdelay $0x3  }
0x36: {  	p1 =	seq.s32 s10, $0x1;
	s10 =	sld [smem:$0x3FBA];
	_ =	sdelay $0x3  }
0x37: {  	[smem:$0x3FBA] =	sst s10  }
0x38: {  	s10 =	sld [smem:$0x3FBB]  }
0x39: {  	_ = 	snop;
	(pc) =	sbr.ind lr, $3  }
0x3a: {  	_ = 	snop  }
0x3b: {  	_ = 	snop  }
0x3c: {  	p2 =	seq.s32 s10, $0x1;
	s10 =	sld [smem:$0x3FBA]  }
0x3d: {  	_ =	shalt  }
0x3e: {  	_ =	shalt  }
0x3f: {  	_ =	shalt  }
0x40: {  	_ =	shalt  }
0x41: {  	_ =	shalt  }
0x42: {  	_ =	shalt  }
0x43: {  	_ =	shalt  }
0x44: {  	_ =	shalt  }
0x45: {  	_ =	shalt  }
0x46: {  	_ =	shalt  }
0x47: {  	_ =	shalt  }
0x48: {  	_ =	shalt  }
0x49: {  	_ =	shalt  }
0x4a: {  	_ =	shalt  }
0x4b: {  	_ =	shalt  }
0x4c: {  	_ =	shalt  }
0x4d: {  	_ =	shalt  }
0x4e: {  	_ =	shalt  }
0x4f: {  	_ =	shalt  }
0x50: {  	_ =	shalt  }
0x51: {  	_ =	shalt  }
0x52: {  	_ =	shalt  }
0x53: {  	_ =	shalt  }
0x54: {  	_ =	shalt  }
0x55: {  	_ =	shalt  }
0x56: {  	_ =	shalt  }
0x57: {  	_ =	shalt  }
0x58: {  	_ =	shalt  }
0x59: {  	_ =	shalt  }
0x5a: {  	_ =	shalt  }
0x5b: {  	_ =	shalt  }
0x5c: {  	_ =	shalt  }
0x5d: {  	_ =	shalt  }
0x5e: {  	_ =	shalt  }
0x5f: {  	_ =	shalt  }
0x60: {  	_ =	shalt  }
0x61: {  	_ =	shalt  }
0x62: {  	_ =	shalt  }
0x63: {  	_ =	shalt  }
0x64: {  	_ =	shalt  }
0x65: {  	_ =	shalt  }
0x66: {  	_ =	shalt  }
0x67: {  	_ =	shalt  }
0x68: {  	_ =	shalt  }
0x69: {  	_ =	shalt  }
0x6a: {  	_ =	shalt  }
0x6b: {  	_ =	shalt  }
0x6c: {  	_ =	shalt  }
0x6d: {  	_ =	shalt  }
0x6e: {  	_ =	shalt  }
0x6f: {  	_ =	shalt  }
0x70: {  	_ =	shalt  }
0x71: {  	_ =	shalt  }
0x72: {  	_ =	shalt  }
0x73: {  	_ =	shalt  }
0x74: {  	_ =	shalt  }
0x75: {  	_ =	shalt  }
0x76: {  	_ =	shalt  }
0x77: {  	_ =	shalt  }
0x78: {  	_ =	shalt  }
0x79: {  	_ =	shalt  }
0x7a: {  	_ =	shalt  }
0x7b: {  	_ =	shalt  }
0x7c: {  	_ =	shalt  }
0x7d: {  	_ =	shalt  }
0x7e: {  	_ =	shalt  }
0x7f: {  	_ =	shalt  }
0x80: {  	_ =	shalt  }
0x81: {  	_ =	shalt  }
0x82: {  	_ =	shalt  }
0x83: {  	_ =	shalt  }
0x84: {  	_ =	shalt  }
0x85: {  	_ =	shalt  }
0x86: {  	_ =	shalt  }
0x87: {  	_ =	shalt  }
.Lfunc_end0:
.L_simem_size_0:
called_computation.1_lowered:
.L_overlay_start_0:
0x88: {  	s2 =	sld [smem:$0x3FD9]  }
0x89: {  	s3 =	sld [smem:$0x3FFE];
	_ =	sdelay $0x1  }
0x8a: {  	s1 =	srdreg.scid  }
0x8b: {  	s0 =	sand.u32 $0x1, s1  }
0x8c: {  	s17 =	sshll.u32 s0, $0xA;
	s2 =	sadd.s32 s3, s2  }
0x8d: {  	s2 =	sadd.s32 s2, s17  }
0x8e: {  	[smem:$0x3FC6] =	sst s2  }
0x8f: {  	_ = 	snop  }
0x90: {  	s2 =	sld [smem:$0x3FD0];
	(tm) =	ssettm $0x1  }
0x91: {  	s18 =	sld [smem:$0x3FFB];
	_ =	sdelay $0x3  }
0x92: {  	_ =	strace s18  }
0x93: {  	s3 =	sld [smem:$0x3FFC];
	_ =	sdelay $0x3  }
0x94: {  	_ =	strace s3  }
0x95: {  	s3 =	sld [smem:$0x3FFD];
	_ =	sdelay $0x3  }
0x96: {  	_ =	strace s3  }
0x97: {  	_ =	strace $0x8FFFFFFF  }
0x98: {  	s19 =	sld [smem:$0x3FDB];
	_ =	sdelay $0x1  }
0x99: {  	s4 =	simm.s32 $_scs_section_size  }
0x9a: {  	s5 =	simm.s32 $_size__tile_overlayer_lowered;
	s6 =	simm.s32 $_tile_overlayer_lowered  }
0x9b: {  	s22 =	simm.s32 $0x1BFF;
	s21 =	sshll.u32 s6, $0x1;
	s3 =	sadd.s32 s4, s19  }
0x9c: {  	s7 =	simm.s32 $0x0;
	s20 =	sshll.u32 s5, $0x1;
	s5 =	sadd.s32 s21, s3  }
0x9d: {  	[timem:s7], [sflag:s22] =	dma.local [hbm:s5], s20  }
0x9e: {  	_ =	swait.ge [sflag:s22], s20  }
0x9f: {  	s4 =	ssub.s32 $0x0, s20;
	[sflag:s22] =	ssyncset.done $0x0  }
0xa0: {  	[sflag:s22] =	ssyncadd.s32 s4;
	_ =	sdelay $0x1  }
0xa1: {  	s23 =	simm.s32 $0x1B8B  }
0xa2: {  	_ =	swait.ge [sflag:s23], $0x1  }
0xa3: {  	[sflag:s23] =	ssyncset.done $0x0  }
0xa4: {  	s25 =	simm.s32 $0x1B8E;
	s24 =	sld [smem:$0x3FFE];
	[sflag:s23] =	ssyncadd.s32 $0xFFFFFFFF  }
0xa5: {  	s26 =	simm.s32 $execute0_lowered;
	[smem:$0x3FD2] =	sst s25  }
0xa6: {  	s5 =	sshll.u32 s26, $0x1;
	_ =	strace $0x80000049;
	[dreg:$0x1] =	wrdreg $0xFFFFFFFF  }
0xa7: {  	s28 =	simm.s32 $_size_execute0_lowered;
	s3 =	sadd.s32 s3, s5;
	[dreg:$0x0] =	wrdreg $0x0  }
0xa8: {  	s5 =	sshll.u32 s28, $0x1;
	[dreg:$0x2] =	wrdreg s3  }
0xa9: {  	[dreg:$0x3] =	wrdreg s5  }
0xaa: {  	[dreg:$0x4] =	wrdreg $0xC0  }
0xab: {  	_ =	task [dreg:s7], $0x5FFFF  }
0xac: {  	[dreg:$0x1] =	wrdreg $0xFFFFFFFF  }
0xad: {  	[dreg:$0x0] =	wrdreg $0x60  }
0xae: {  	[dreg:$0x2] =	wrdreg s24  }
0xaf: {  	[dreg:$0x3] =	wrdreg s2  }
0xb0: {  	[dreg:$0x4] =	wrdreg $0x0  }
0xb1: {  	[dreg:$0x5] =	wrdreg $0x9  }
0xb2: {  	_ =	task.clear_ibuf [dreg:s7], $0x6FFFF;
	_ =	strace $0x90000049  }
0xb3: {  	s29 =	simm.s32 $0x9;
	_ =	strace $0x8000004B  }
0xb4: {  	_ =	swait.ge [sflag:s29], $0x1  }
0xb5: {  	[sflag:s29] =	ssyncadd.s32 $0xFFFFFFFF  }
0xb6: {  	_ =	strace $0x9000004B  }
0xb7: {  	_ =	sfence  }
0xb8: {  	s30 =	sld [smem:$0x0];
	_ =	sdelay $0x2  }
0xb9: {  	s31 =	sshll.u32 s1, $0xD;
	s1 =	sshrl.u32 s1, $0x2  }
0xba: {  	s3 =	sand.u32 $0x4000, s31;
	s1 =	sadd.s32 s1, s30  }
0xbb: {  	s0 =	sor.u32 s3, s0;
	s1 =	sshll.u32 s1, $0x11  }
0xbc: {  	s0 =	sor.u32 s1, s0  }
0xbd: {  	s0 =	sadd.s32 $0x8F2B, s0  }
0xbe: {  	[sflag:s0] =	ssyncadd.remote.s32 $0x1  }
0xbf: {  	_ =	sfence.sel $0xFFFF  }
0xc0: {  	[dreg:$0x0] =	wrdreg $0xFFFFFFFF;
	(pc) =	sbr.abs _section_cstart, $3  }
0xc1: {  	[dreg:$0x1] =	wrdreg $0xFFFFFFFF  }
0xc2: {  	_ =	task.clear_ibuf [dreg:s7], $0x2FFFF;
	_ =	strace $0x9FFFFFFF  }
0xc3: {  	(tm) =	ssettm $0x7FFFFFFF  }
tec
execute0_lowered:
.L_overlay_start_1:
0x0: {  	(tag) =	ssettag $0x1  }
0x1: {  	s0 =	rddreg [dreg:$0x0]  }
0x2: {  	s2 =	rddreg [dreg:$0x2];
	s3 =	simm.s32 $0x0  }
0x3: {  	s1 =	srdreg.scid;
	s26 =	stileid.u32;
	s9 =	simm.s32 $0x8000  }
0x4: {  	s10 =	simm.s32 $0x2;
	s11 =	simm.s32 $0x80;
	s30 =	simm.s32 $0xA400  }
0x5: {  	s31 =	simm.s32 $0x9480;
	s7 =	simm.s32 $0xA500;
	s8 =	simm.s32 $0x9580  }
0x6: {  	s12 =	simm.s32 $0x9600;
	s13 =	simm.s32 $0xA600;
	s14 =	simm.s32 $0x9680  }
0x7: {  	s15 =	simm.s32 $0xA680;
	s16 =	simm.s32 $0x9700;
	s17 =	simm.s32 $0xA700  }
0x8: {  	s18 =	simm.s32 $0x9780;
	s19 =	simm.s32 $0xA780;
	s20 =	simm.s32 $0x1  }
0x9: {  	s21 =	simm.s32 $0xA800;
	s23 =	simm.s32 $0x0;
	[smem:$0x7FF] =	sst s3  }
0xa: {  	s1 =	sand.u32 $0x1, s1;
	s4 =	sadd.s32 $0x600, s0;
	s5 =	sadd.s32 $0x200600, s0  }
0xb: {  	s28 =	sshll.u32 s26, $0x13;
	p0 =	sne.s32 s26, $0x0;
	s25 =	ssub.s32 $0x2, s1  }
0xc: {  	_ =	strace $0x8000004A;
	s0 =	sshrl.u32 @!p0 s2, $0x3;
	s6 =	sshrl.u32 s25, $0x1  }
0xd: {  	s1 =	sshll.u32 s1, $0x12;
	[dreg:$0x5] =	wrdreg s0;
	s3 =	ssub.s32 s25, s6  }
0xe: {  	v0 =	vlaneseq.u32;
	s0 =	simm.s32 $0xA480;
	s6 =	sor.u32 s1, s28;
	s29 =	smax.u32 s3, $0x1  }
0xf: {  	v0 =	vmul.u32 $0x2, v0;
	s1 =	simm.s32 $0x9500;
	s3 =	simm.s32 $0xA580;
	[dreg:$0x4] =	wrdreg s29  }
.LBB2_1:
0x10: {  	[dreg:$0x6] =	wrdreg s23  }
0x11: {  	s23 =	rddreg [dreg:$0x1]  }
0x12: {  	s22 =	simm.s32 @!p0 $0x1C02;
	s24 =	rddreg [dreg:$0x5]  }
0x13: {  	[spmem:s24], [sflag:s22] =	dma.local @!p0 [hbm:s23], $0x10000  }
0x14: {  	s22 =	simm.s32 @!p0 $0x2  }
0x15: {  	_ =	swait.ge @!p0 [sflag:s22], $0x10000  }
0x16: {  	[sflag:s22] =	ssyncset.done @!p0 $0x0  }
0x17: {  	[sflag:s22] =	ssyncadd.s32 @!p0 $0xFFFF0000  }
0x18: {  	s22 =	simm.s32 $0x0;
	[bflag:$0x0] =	sbarrier.arrive $0xFFFF  }
.LBB2_2:
0x19: {  	s24 =	simm.s32 $0x0  }
0x1a: {  	s23 =	sshll.u32 s22, $0xB;
	v1 =	vmov s24  }
0x1b: {  	s23 =	sadd.s32 s6, s23;
	v1 =	vshll.u32 v1, $0x1  }
0x1c: {  	s25 =	sshrl.u32 s23, $0x2;
	v1 =	vor.u32 v0, v1  }
0x1d: {  	s25 =	sadd.s32 s4, s25;
	v1 =	vor.u32 $0x1, v1  }
0x1e: {  	[tilespmem:s9], [sflag:$0x2] =	stream.linear.gather [hbm4b:s25+s24], $0x1000, $0x38;
	[tilespmem:$0xB000] =	vst v63  }
0x1f: {  	_ =	swait.ge [sflag:s10], $0x1000  }
0x20: {  	[sflag:s10] =	ssyncset.done $0x0  }
0x21: {  	[sflag:s10] =	ssyncadd.s32 $0xFFFFF000  }
0x22: {  	v1 =	vld.idx.msk [tilespmem:v1+s9+$0x0], $0xffff  }
0x23: {  	s29 =	simm.s32 $0x10  }
0x24: {  	v2 =	vmov s29  }
0x25: {  	v2 =	vshll.u32 v2, $0x1  }
0x26: {  	v2 =	vor.u32 v0, v2  }
0x27: {  	v3 =	vshrl.u32 v1, $0xC;
	v4 =	vshrl.u32 v1, $0x7;
	v1 =	vor.u32 $0x1, v2  }
0x28: {  	s24 =	simm.s32 $0x9000  }
0x29: {  	s26 =	simm.s32 $0x20;
	s25 =	simm.s32 $0x9800;
	[tilespmem:s24+$0x0] =	vst v3;
	v2 =	vand.u32 $0x1F, v4  }
.LBB2_3:
0x2a: {  	s24 =	sadd.s32 $0x10, s24  }
0x2b: {  	[tilespmem:s25+$0x0] =	vst v2;
	s25 =	sadd.s32 $0x10, s25;
	s28 =	smov.u32 s26;
	s29 =	sadd.s32 $0x10, s26  }
0x2c: {  	p1 =	sne.s32 s26, $0x7F0;
	v2 =	vld.idx.msk [tilespmem:v1+s9+$0x0], $0xffff  }
0x2d: {  	v1 =	vmov s28  }
0x2e: {  	v1 =	vshll.u32 v1, $0x1  }
.Ltmp0:
0x2f: {  	v1 =	vor.u32 v0, v1;
	(pc) =	sbr.rel @p1 .LBB2_3-.Ltmp0, $3  }
0x30: {  	v1 =	vor.u32 $0x1, v1;
	_ =	sdelay $0x1  }
0x31: {  	v3 =	vshrl.u32 v2, $0xC;
	v2 =	vshrl.u32 v2, $0x7  }
0x32: {  	s26 =	smov.u32 s29;
	v2 =	vand.u32 $0x1F, v2;
	[tilespmem:s24+$0x0] =	vst v3  }
0x33: {  	_ =	sdelay $0x2  }
0x34: {  	[tilespmem:s25+$0x0] =	vst v2  }
0x35: {  	v1 =	vld.idx.msk [tilespmem:v1+s9+$0x0], $0xffff;
	_ =	sdelay $0x4  }
0x36: {  	s24 =	sadd.s32 $0x10, s24;
	v2 =	vshrl.u32 v1, $0xC;
	v1 =	vshrl.u32 v1, $0x7  }
0x37: {  	s26 =	sadd.s32 $0x10, s25;
	[tilespmem:s24+$0x0] =	vst v2;
	v1 =	vand.u32 $0x1F, v1  }
0x38: {  	s28 =	simm.s32 $0x9000;
	s29 =	simm.s32 $0xA000;
	[tilespmem:s26+$0x0] =	vst v1  }
0x39: {  	[tilespmem:s29], [sflag:$0x1] =	stream.indirect.gather [spmem:s2], $0x1, s28, s11, $0xb8;
	[tilespmem:$0xB000] =	vst v63  }
0x3a: {  	s25 =	simm.s32 $0x9080;
	s26 =	simm.s32 $0xA080  }
0x3b: {  	[tilespmem:s26], [sflag:$0x1] =	stream.indirect.gather [spmem:s2], $0x1, s25, s11, $0xb8;
	[tilespmem:$0xB000] =	vst v63  }
0x3c: {  	s28 =	simm.s32 $0x9100;
	s29 =	simm.s32 $0xA100  }
0x3d: {  	[tilespmem:s29], [sflag:$0x1] =	stream.indirect.gather [spmem:s2], $0x1, s28, s11, $0xb8;
	[tilespmem:$0xB000] =	vst v63  }
0x3e: {  	s25 =	simm.s32 $0x9180;
	s26 =	simm.s32 $0xA180  }
0x3f: {  	[tilespmem:s26], [sflag:$0x1] =	stream.indirect.gather [spmem:s2], $0x1, s25, s11, $0xb8;
	[tilespmem:$0xB000] =	vst v63  }
0x40: {  	s28 =	simm.s32 $0x9200;
	s29 =	simm.s32 $0xA200  }
0x41: {  	[tilespmem:s29], [sflag:$0x1] =	stream.indirect.gather [spmem:s2], $0x1, s28, s11, $0xb8;
	[tilespmem:$0xB000] =	vst v63  }
0x42: {  	s25 =	simm.s32 $0x9280;
	s26 =	simm.s32 $0xA280  }
0x43: {  	[tilespmem:s26], [sflag:$0x1] =	stream.indirect.gather [spmem:s2], $0x1, s25, s11, $0xb8;
	[tilespmem:$0xB000] =	vst v63  }
0x44: {  	s28 =	simm.s32 $0x9300;
	s29 =	simm.s32 $0xA300  }
0x45: {  	[tilespmem:s29], [sflag:$0x1] =	stream.indirect.gather [spmem:s2], $0x1, s28, s11, $0xb8;
	[tilespmem:$0xB000] =	vst v63  }
0x46: {  	s26 =	simm.s32 $0x9380;
	s28 =	simm.s32 $0xA380  }
0x47: {  	[tilespmem:s28], [sflag:$0x1] =	stream.indirect.gather [spmem:s2], $0x1, s26, s11, $0xb8;
	[tilespmem:$0xB000] =	vst v63  }
0x48: {  	s29 =	simm.s32 $0x9400  }
0x49: {  	[tilespmem:s30], [sflag:$0x1] =	stream.indirect.gather [spmem:s2], $0x1, s29, s11, $0xb8;
	[tilespmem:$0xB000] =	vst v63  }
0x4a: {  	_ = 	snop  }
0x4b: {  	[tilespmem:s0], [sflag:$0x1] =	stream.indirect.gather [spmem:s2], $0x1, s31, s11, $0xb8;
	[tilespmem:$0xB000] =	vst v63  }
0x4c: {  	_ = 	snop  }
0x4d: {  	[tilespmem:s7], [sflag:$0x1] =	stream.indirect.gather [spmem:s2], $0x1, s1, s11, $0xb8;
	[tilespmem:$0xB000] =	vst v63  }
0x4e: {  	_ = 	snop  }
0x4f: {  	[tilespmem:s3], [sflag:$0x1] =	stream.indirect.gather [spmem:s2], $0x1, s8, s11, $0xb8;
	[tilespmem:$0xB000] =	vst v63  }
0x50: {  	_ = 	snop  }
0x51: {  	[tilespmem:s13], [sflag:$0x1] =	stream.indirect.gather [spmem:s2], $0x1, s12, s11, $0xb8;
	[tilespmem:$0xB000] =	vst v63  }
0x52: {  	_ = 	snop  }
0x53: {  	[tilespmem:s15], [sflag:$0x1] =	stream.indirect.gather [spmem:s2], $0x1, s14, s11, $0xb8;
	[tilespmem:$0xB000] =	vst v63  }
0x54: {  	_ = 	snop  }
0x55: {  	[tilespmem:s17], [sflag:$0x1] =	stream.indirect.gather [spmem:s2], $0x1, s16, s11, $0xb8;
	[tilespmem:$0xB000] =	vst v63  }
0x56: {  	_ = 	snop  }
0x57: {  	[tilespmem:s19], [sflag:$0x1] =	stream.indirect.gather [spmem:s2], $0x1, s18, s11, $0xb8;
	[tilespmem:$0xB000] =	vst v63  }
0x58: {  	_ =	swait.ge [sflag:s20], $0x80  }
0x59: {  	[sflag:s20] =	ssyncset.done $0x0  }
0x5a: {  	[sflag:s20] =	ssyncadd.s32 $0xFFFFFF80  }
0x5b: {  	_ =	swait.ge [sflag:s20], $0x80  }
0x5c: {  	[sflag:s20] =	ssyncset.done $0x0  }
0x5d: {  	[sflag:s20] =	ssyncadd.s32 $0xFFFFFF80  }
0x5e: {  	_ =	swait.ge [sflag:s20], $0x80  }
0x5f: {  	[sflag:s20] =	ssyncset.done $0x0  }
0x60: {  	[sflag:s20] =	ssyncadd.s32 $0xFFFFFF80  }
0x61: {  	_ =	swait.ge [sflag:s20], $0x80  }
0x62: {  	[sflag:s20] =	ssyncset.done $0x0  }
0x63: {  	[sflag:s20] =	ssyncadd.s32 $0xFFFFFF80  }
0x64: {  	_ =	swait.ge [sflag:s20], $0x80  }
0x65: {  	[sflag:s20] =	ssyncset.done $0x0  }
0x66: {  	[sflag:s20] =	ssyncadd.s32 $0xFFFFFF80  }
0x67: {  	_ =	swait.ge [sflag:s20], $0x80  }
0x68: {  	[sflag:s20] =	ssyncset.done $0x0  }
0x69: {  	[sflag:s20] =	ssyncadd.s32 $0xFFFFFF80  }
0x6a: {  	_ =	swait.ge [sflag:s20], $0x80  }
0x6b: {  	[sflag:s20] =	ssyncset.done $0x0  }
0x6c: {  	[sflag:s20] =	ssyncadd.s32 $0xFFFFFF80  }
0x6d: {  	_ =	swait.ge [sflag:s20], $0x80  }
0x6e: {  	[sflag:s20] =	ssyncset.done $0x0  }
0x6f: {  	[sflag:s20] =	ssyncadd.s32 $0xFFFFFF80  }
0x70: {  	_ =	swait.ge [sflag:s20], $0x80  }
0x71: {  	[sflag:s20] =	ssyncset.done $0x0  }
0x72: {  	[sflag:s20] =	ssyncadd.s32 $0xFFFFFF80  }
0x73: {  	_ =	swait.ge [sflag:s20], $0x80  }
0x74: {  	[sflag:s20] =	ssyncset.done $0x0  }
0x75: {  	[sflag:s20] =	ssyncadd.s32 $0xFFFFFF80  }
0x76: {  	_ =	swait.ge [sflag:s20], $0x80  }
0x77: {  	[sflag:s20] =	ssyncset.done $0x0  }
0x78: {  	[sflag:s20] =	ssyncadd.s32 $0xFFFFFF80  }
0x79: {  	_ =	swait.ge [sflag:s20], $0x80  }
0x7a: {  	[sflag:s20] =	ssyncset.done $0x0  }
0x7b: {  	[sflag:s20] =	ssyncadd.s32 $0xFFFFFF80  }
0x7c: {  	_ =	swait.ge [sflag:s20], $0x80  }
0x7d: {  	[sflag:s20] =	ssyncset.done $0x0  }
0x7e: {  	[sflag:s20] =	ssyncadd.s32 $0xFFFFFF80  }
0x7f: {  	_ =	swait.ge [sflag:s20], $0x80  }
0x80: {  	[sflag:s20] =	ssyncset.done $0x0  }
0x81: {  	[sflag:s20] =	ssyncadd.s32 $0xFFFFFF80  }
0x82: {  	_ =	swait.ge [sflag:s20], $0x80  }
0x83: {  	[sflag:s20] =	ssyncset.done $0x0  }
0x84: {  	[sflag:s20] =	ssyncadd.s32 $0xFFFFFF80  }
0x85: {  	_ =	swait.ge [sflag:s20], $0x80  }
0x86: {  	[sflag:s20] =	ssyncset.done $0x0  }
0x87: {  	s24 =	simm.s32 $0x0;
	[sflag:s20] =	ssyncadd.s32 $0xFFFFFF80  }
0x88: {  	v1 =	vld [tilespmem:s24+$0xA000]  }
0x89: {  	s25 =	simm.s32 $0x40;
	v2 =	vld [tilespmem:s24+$0x9800]  }
.LBB2_5:
0x8a: {  	_ = 	snop  }
0x8b: {  	p1 =	sne.s32 s25, $0x1FC0  }
.Ltmp1:
0x8c: {  	_ = 	snop;
	(pc) =	sbr.rel @p1 .LBB2_5-.Ltmp1, $4  }
0x8d: {  	_ = 	snop  }
0x8e: {  	s26 =	sshra.s32 s25, $0x2;
	v3 =	vshrl.u32 v1, v2  }
0x8f: {  	v1 =	vld [tilespmem:s26+$0xA000];
	v3 =	vand.u32 $0x1, v3  }
0x90: {  	s25 =	sadd.s32 $0x40, s25;
	v2 =	vld [tilespmem:s26+$0x9800];
	[tilespmem:s24+$0xA800] =	vst v3;
	s24 =	smov.u32 s26  }
0x91: {  	_ =	sdelay $0x3  }
0x92: {  	s22 =	sadd.s32 $0x1, s22;
	v1 =	vshrl.u32 v1, v2  }
0x93: {  	s23 =	sshrl.u32 s23, $0x3;
	p1 =	sne.s32 s22, $0x80;
	v1 =	vand.u32 $0x1, v1  }
.Ltmp2:
0x94: {  	s29 =	simm.s32 $0x0;
	s23 =	sadd.s32 s5, s23;
	[tilespmem:s24+$0xA800] =	vst v1;
	(pc) =	sbr.rel @p1 .LBB2_2-.Ltmp2, $4  }
0x95: {  	[hbm4b:s23+s29] =	stream.linear.scatter [tilespmem:s21], [sflag:$0x2], $0x800, $0x38;
	[tilespmem:$0xB000] =	vst v63  }
0x96: {  	_ =	swait.ge [sflag:s10], $0x800  }
0x97: {  	[sflag:s10] =	ssyncset.done $0x0  }
0x98: {  	[sflag:s10] =	ssyncadd.s32 $0xFFFFF800  }
0x99: {  	s23 =	rddreg [dreg:$0x6]  }
0x9a: {  	s22 =	rddreg [dreg:$0x4];
	s23 =	sadd.s32 $0x1, s23  }
0x9b: {  	p1 =	sne.s32 s23, s22  }
.Ltmp3:
0x9c: {  	_ = 	snop;
	(pc) =	sbr.rel @p1 .LBB2_1-.Ltmp3, $1  }
0x9d: {  	_ =	sdelay $0x3  }
0x9e: {  	_ =	sfence.sel $0x180000  }
0x9f: {  	[bflag:$0x0] =	sbarrier.arrive $0xFFFF  }
0xa0: {  	_ =	strace $0x9000004A  }
0xa1: {  	[bflag:$0x2] =	sbarrier.arrive $0xFFFF  }
0xa2: {  	s0 =	rddreg [dreg:$0x3]  }
0xa3: {  	s0 =	sadd.s32 @!p0 $0x100000, s0  }
0xa4: {  	[sflag:s0] =	ssyncadd.tile.s32 @!p0 $0x1;
	_ =	shalt  }
.Lfunc_end2:
_tile_overlayer_lowered:
.L_overlay_start_2:
0xa5: {  	(tag) =	ssettag $0x2  }
0xa6: {  	s0 =	rddreg [dreg:$0x0];
	s2 =	stileid.u32  }
0xa7: {  	s1 =	rddreg [dreg:$0x1];
	p0 =	sne.s32 s2, $0x0  }
0xa8: {  	s3 =	rddreg [dreg:$0x2];
	[bflag:$0x3] =	sbarrier.arrive $0xFFFF;
	s2 =	simm.s32 @!p0 $0x1C02  }
0xa9: {  	[timem:s3], [sflag:s2] =	dma.local @!p0 [hbm:s0], s1  }
0xaa: {  	s0 =	simm.s32 @!p0 $0x2  }
0xab: {  	_ =	swait.ge @!p0 [sflag:s0], s1  }
0xac: {  	s1 =	ssub.s32 @!p0 $0x0, s1;
	[sflag:s0] =	ssyncset.done @!p0 $0x0  }
0xad: {  	[sflag:s0] =	ssyncadd.s32 @!p0 s1  }
0xae: {  	[bflag:$0x3] =	sbarrier.arrive $0xFFFF  }
0xaf: {  	_ =	shalt  }

// kernel: sparse-core-data-format-call.cloned.1.call-start
scs
called_computation_lowered:
.L_overlay_start_0:
0x0: {  	s1 =	sld [smem:$0x3FD9]  }
0x1: {  	s2 =	sld [smem:$0x3FFE];
	_ =	sdelay $0x1  }
0x2: {  	s3 =	srdreg.scid  }
0x3: {  	s0 =	sand.u32 $0x1, s3  }
0x4: {  	s17 =	sshll.u32 s0, $0xA;
	s1 =	sadd.s32 s2, s1  }
0x5: {  	s1 =	sadd.s32 s1, s17  }
0x6: {  	[smem:$0x3FC6] =	sst s1  }
0x7: {  	_ = 	snop  }
0x8: {  	(tm) =	ssettm $0x1  }
0x9: {  	s18 =	sld [smem:$0x3FFB];
	_ =	sdelay $0x3  }
0xa: {  	_ =	strace s18  }
0xb: {  	s1 =	sld [smem:$0x3FFC];
	_ =	sdelay $0x3  }
0xc: {  	_ =	strace s1  }
0xd: {  	s1 =	sld [smem:$0x3FFD];
	_ =	sdelay $0x3  }
0xe: {  	_ =	strace s1  }
0xf: {  	_ =	strace $0x8FFFFFFF  }
0x10: {  	s19 =	sld [smem:$0x3FDB];
	_ =	sdelay $0x1  }
0x11: {  	s20 =	simm.s32 $_scs_section_size  }
0x12: {  	s4 =	simm.s32 $_size__tile_overlayer_lowered;
	s5 =	simm.s32 $_tile_overlayer_lowered  }
0x13: {  	s23 =	simm.s32 $0x1BFF;
	s22 =	sshll.u32 s5, $0x1;
	s1 =	sadd.s32 s20, s19  }
0x14: {  	s6 =	simm.s32 $0x0;
	s21 =	sshll.u32 s4, $0x1;
	s4 =	sadd.s32 s22, s1  }
0x15: {  	[timem:s6], [sflag:s23] =	dma.local [hbm:s4], s21  }
0x16: {  	_ =	swait.ge [sflag:s23], s21  }
0x17: {  	s2 =	ssub.s32 $0x0, s21;
	[sflag:s23] =	ssyncset.done $0x0  }
0x18: {  	[sflag:s23] =	ssyncadd.s32 s2;
	_ =	sdelay $0x1  }
0x19: {  	s24 =	simm.s32 $0x1B8B  }
0x1a: {  	_ =	swait.ge [sflag:s24], $0x1  }
0x1b: {  	[sflag:s24] =	ssyncset.done $0x0  }
0x1c: {  	s26 =	simm.s32 $0x1B8E;
	s25 =	sld [smem:$0x3FFE];
	[sflag:s24] =	ssyncadd.s32 $0xFFFFFFFF  }
0x1d: {  	s27 =	simm.s32 $execute0_lowered;
	[smem:$0x3FD2] =	sst s26  }
0x1e: {  	s4 =	sshll.u32 s27, $0x1;
	_ =	strace $0x80000046;
	[dreg:$0x1] =	wrdreg $0xFFFFFFFF  }
0x1f: {  	s28 =	simm.s32 $_size_execute0_lowered;
	s1 =	sadd.s32 s1, s4;
	[dreg:$0x0] =	wrdreg $0x0  }
0x20: {  	s4 =	sshll.u32 s28, $0x1;
	[dreg:$0x2] =	wrdreg s1  }
0x21: {  	[dreg:$0x3] =	wrdreg s4  }
0x22: {  	[dreg:$0x4] =	wrdreg $0xC0  }
0x23: {  	_ =	task [dreg:s6], $0x5FFFF  }
0x24: {  	[dreg:$0x1] =	wrdreg $0xFFFFFFFF  }
0x25: {  	[dreg:$0x0] =	wrdreg $0x60  }
0x26: {  	[dreg:$0x2] =	wrdreg s25  }
0x27: {  	[dreg:$0x3] =	wrdreg $0x9  }
0x28: {  	_ =	task.clear_ibuf [dreg:s6], $0x4FFFF;
	_ =	strace $0x90000046  }
0x29: {  	s29 =	simm.s32 $0x9;
	_ =	strace $0x80000048  }
0x2a: {  	_ =	swait.ge [sflag:s29], $0x1  }
0x2b: {  	[sflag:s29] =	ssyncadd.s32 $0xFFFFFFFF  }
0x2c: {  	_ =	strace $0x90000048  }
0x2d: {  	_ =	sfence  }
0x2e: {  	s30 =	sld [smem:$0x0];
	_ =	sdelay $0x2  }
0x2f: {  	s31 =	sshll.u32 s3, $0xD;
	s3 =	sshrl.u32 s3, $0x2  }
0x30: {  	s2 =	sand.u32 $0x4000, s31;
	s1 =	sadd.s32 s3, s30  }
0x31: {  	s0 =	sor.u32 s2, s0;
	s1 =	sshll.u32 s1, $0x11  }
0x32: {  	s0 =	sor.u32 s1, s0  }
0x33: {  	s0 =	sadd.s32 $0x8F2B, s0  }
0x34: {  	[sflag:s0] =	ssyncadd.remote.s32 $0x1  }
0x35: {  	_ =	sfence.sel $0xFFFF  }
0x36: {  	[dreg:$0x0] =	wrdreg $0xFFFFFFFF;
	(pc) =	sbr.abs _section_cstart, $3  }
0x37: {  	[dreg:$0x1] =	wrdreg $0xFFFFFFFF  }
0x38: {  	_ =	task.clear_ibuf [dreg:s6], $0x2FFFF;
	_ =	strace $0x9FFFFFFF  }
0x39: {  	(tm) =	ssettm $0x7FFFFFFF  }
tec
execute0_lowered:
.L_overlay_start_1:
0x0: {  	(tag) =	ssettag $0x1  }
0x1: {  	s0 =	srdreg.scid  }
0x2: {  	s1 =	stileid.u32;
	s29 =	rddreg [dreg:$0x0];
	s0 =	sshll.u32 s0, $0x4  }
0x3: {  	_ =	strace $0x80000047;
	s3 =	simm.s32 $0x1;
	s0 =	sand.u32 $0x10, s0  }
0x4: {  	s30 =	simm.s32 $0x2;
	s12 =	simm.s32 $0x0;
	s0 =	sor.u32 s1, s0  }
0x5: {  	s11 =	simm.s32 $0x0;
	s9 =	simm.s32 $0x0;
	s4 =	sshll.u32 s0, $0xD  }
0x6: {  	s10 =	simm.s32 $0x0;
	s31 =	sadd.s32 $0x400600, s29;
	s0 =	ssub.s32 $0x800000, s4  }
0x7: {  	s5 =	sadd.s32 $0x200600, s29;
	[smem:$0x7F9] =	sst s31;
	s2 =	sand.u32 $0x3E000, s0  }
.Ltmp0:
0x8: {  	p0 =	sne.s32 s2, $0x0;
	s2 =	simm.s32 $0x1;
	(pc) =	sbr.rel .LBB1_1-.Ltmp0, $4  }
0x9: {  	[smem:$0x7FB] =	sst s5;
	s0 =	sshrl.u32 s0, $0x12;
	s2 =	simm.s32 @!p0 $0x0  }
0xa: {  	[sflag:s3] =	ssyncpa.u1 $0x0;
	[smem:$0x7FA] =	sst s4;
	s6 =	sadd.s32 s2, s0  }
0xb: {  	[sflag:s30] =	ssyncpa.u1 $0x0;
	s7 =	sadd.s32 $0x1, s6;
	[smem:$0x7FC] =	sst s6  }
0xc: {  	s8 =	smov.u32 s4;
	p0 =	por $0x0, $0x0;
	[smem:$0x7FD] =	sst s7  }
.LBB1_7:
0xd: {  	s0 =	sadd.s32 $0x40000, s8  }
0xe: {  	s2 =	sadd.s32 $0x2, s9;
	s3 =	smov.u32 s9;
	p2 =	sgt.s32 s0, $0x7FFFFF  }
0xf: {  	s3 =	smov.u32 @p2 s2  }
0x10: {  	s0 =	smov.u32 @p2 s4;
	p2 =	sgt.s32 s3, $0x1  }
0x11: {  	s3 =	simm.s32 @p2 $0x0;
	p2 =	sne.s32 s10, s7  }
.Ltmp1:
0x12: {  	p1 =	slt.u32 s10, $0x2;
	(pc) =	sbr.rel @!p2 .LBB1_8-.Ltmp1, $4  }
0x13: {  	s1 =	simm.s32 @!p1 $0x2  }
0x14: {  	s12 =	smov.u32 s8;
	s11 =	smov.u32 s9;
	_ =	swait.ge @!p1 [sflag:s1], $0x4000  }
0x15: {  	p0 =	por !p0, !p0;
	[sflag:s1] =	ssyncset.done @!p1 $0x0;
	s8 =	smov.u32 s0  }
0x16: {  	s10 =	sadd.s32 $0x1, s10;
	[sflag:s1] =	ssyncadd.s32 @!p1 $0xFFFFC000;
	s9 =	smov.u32 s3  }
.LBB1_1:
0x17: {  	p1 =	sge.u32 s10, s6  }
0x18: {  	s0 =	sshll.u32 @!p1 s9, $0x7  }
0x19: {  	s1 =	sand.u32 @!p1 $0x78, s8;
	s2 =	sshll.u32 @!p1 s8, $0x1;
	s0 =	sand.u32 @!p1 $0x80, s0  }
0x1a: {  	s2 =	sand.u32 @!p1 $0xFFFF00, s2;
	s0 =	sor.u32 @!p1 s0, s1  }
0x1b: {  	s1 =	sxor.u32 @!p1 $0xFFFFFFFF, s10;
	s0 =	sor.u32 @!p1 s2, s0  }
0x1c: {  	s31 =	sadd.s32 $0xFFFFFFFF, s10;
	s1 =	sshll.u32 @!p1 s1, $0xE;
	s0 =	sshrl.u32 @!p1 s0, $0x3  }
0x1d: {  	s2 =	sand.u32 @!p1 $0x7, s8;
	s1 =	sand.u32 @!p1 $0x4000, s1;
	s0 =	sadd.s32 @!p1 s5, s0  }
0x1e: {  	[tilespmem:s1], [sflag:$0x1] =	stream.linear.gather @!p1 [hbm4b:s0+s2], $0x4000, $0x38;
	[tilespmem:$0x10000] =	vst v63  }
0x1f: {  	p1 =	sge.u32 s31, s6  }
.Ltmp2:
0x20: {  	_ = 	snop;
	(pc) =	sbr.rel @p1 .LBB1_7-.Ltmp2, $1  }
0x21: {  	_ =	sdelay $0x3  }
0x22: {  	[smem:$0x7F3] =	sst s12  }
0x23: {  	[smem:$0x7F4] =	sst s11  }
0x24: {  	[smem:$0x7F5] =	sst s9  }
0x25: {  	[smem:$0x7F6] =	sst s8;
	s0 =	simm.s32 $0x1  }
0x26: {  	s2 =	simm.s32 $0x1;
	s1 =	sshll.u32 s10, $0xE;
	p2 =	por $0x1, $0x1  }
0x27: {  	s0 =	simm.s32 @!p0 $0x0;
	_ =	swait.ge [sflag:s2], $0x4000;
	s15 =	sand.u32 $0x4000, s1  }
0x28: {  	s0 =	sshll.u32 s0, $0x10;
	[smem:$0x7F7] =	sst s10;
	s31 =	sor.u32 $0x8000, s15  }
0x29: {  	[sflag:s2] =	ssyncset.done $0x0;
	s10 =	sshrl.u32 s0, $0x2;
	[smem:$0x7F8] =	sst s31  }
0x2a: {  	[sflag:s2] =	ssyncadd.s32 $0xFFFFC000;
	s0 =	simm.s32 $0x0;
	v0 =	vmov s10;
	[dreg:$0x2] =	wrdreg s10  }
.LBB1_3:
0x2b: {  	s1 =	sshll.u32 s0, $0x2  }
0x2c: {  	s8 =	sshll.u32 s0, $0x7;
	s28 =	simm.s32 $0x3E0;
	s2 =	simm.s32 $0x0  }
0x2d: {  	s16 =	simm.s32 $0x3C0;
	s4 =	simm.s32 $0x120;
	s6 =	simm.s32 $0x140  }
0x2e: {  	s7 =	simm.s32 $0x160;
	s20 =	simm.s32 $0x1A0;
	s21 =	simm.s32 $0x1C0  }
0x2f: {  	s22 =	simm.s32 $0x1E0;
	s23 =	simm.s32 $0x220;
	s27 =	simm.s32 $0x240  }
0x30: {  	s24 =	simm.s32 $0x260;
	s19 =	simm.s32 $0x2A0;
	s9 =	simm.s32 $0x2E0  }
0x31: {  	s11 =	simm.s32 $0x320;
	s25 =	simm.s32 $0x340;
	s29 =	simm.s32 $0x360  }
0x32: {  	s30 =	simm.s32 $0x380;
	p1 =	por p2, p2;
	s14 =	sshra.s32 s1, $0x2  }
0x33: {  	s3 =	sand.u32 $0x3FFFFF80, s8;
	s5 =	sand.u32 $0x2000, s16;
	s0 =	sand.u32 $0x1F00, s16  }
0x34: {  	s16 =	simm.s32 $0x280;
	s17 =	sand.u32 $0x2000, s2;
	s26 =	sand.u32 $0x2000, s4  }
0x35: {  	s2 =	sand.u32 $0x1C00, s2;
	s13 =	sand.u32 $0x2000, s6;
	s4 =	sand.u32 $0x1D00, s4  }
0x36: {  	s6 =	sand.u32 $0x1D00, s6;
	s1 =	sadd.s32 $0x8000, s14;
	s5 =	sadd.s32 s5, s15  }
0x37: {  	s14 =	simm.s32 $0x180;
	s31 =	sadd.s32 $0x400, s3;
	s12 =	sadd.s32 s0, s5  }
0x38: {  	s0 =	simm.s32 $0x2C0;
	[dreg:$0x3] =	wrdreg s1;
	s18 =	sadd.s32 s10, s1  }
0x39: {  	s5 =	sadd.s32 s17, s15;
	s17 =	sadd.s32 s26, s15;
	s26 =	sand.u32 $0x2000, s7  }
0x3a: {  	s1 =	sadd.s32 s2, s5;
	s2 =	sadd.s32 s13, s15;
	s10 =	sadd.s32 s4, s17  }
0x3b: {  	s13 =	sand.u32 $0x2000, s14;
	s17 =	sadd.s32 s26, s15;
	s26 =	sand.u32 $0x1D00, s7  }
0x3c: {  	s7 =	sand.u32 $0x2000, s20;
	s20 =	sand.u32 $0x1D00, s20;
	s5 =	sadd.s32 s6, s2  }
0x3d: {  	s17 =	sadd.s32 s26, s17;
	s6 =	sadd.s32 s13, s15;
	s4 =	sadd.s32 s7, s15  }
0x3e: {  	s13 =	sand.u32 $0x1D00, s14;
	s14 =	sand.u32 $0x2000, s21;
	s26 =	sand.u32 $0x1D00, s21  }
0x3f: {  	s13 =	sadd.s32 s13, s6;
	s7 =	sadd.s32 s20, s4;
	s20 =	sand.u32 $0x2000, s22  }
0x40: {  	s6 =	sadd.s32 s14, s15;
	s22 =	sand.u32 $0x1D00, s22;
	s4 =	sand.u32 $0x2000, s23  }
0x41: {  	s14 =	sand.u32 $0x2000, s27;
	s2 =	sadd.s32 s20, s15;
	s26 =	sadd.s32 s26, s6  }
0x42: {  	v1 =	vmov s8;
	s21 =	sadd.s32 s4, s15;
	s4 =	sand.u32 $0x2000, s24;
	s8 =	sadd.s32 s14, s15  }
0x43: {  	s14 =	sand.u32 $0x1E00, s27;
	s27 =	sand.u32 $0x2000, s19;
	s19 =	sand.u32 $0x1E00, s19  }
0x44: {  	s6 =	sadd.s32 s22, s2;
	s2 =	sand.u32 $0x1E00, s23;
	s23 =	sand.u32 $0x1E00, s24  }
0x45: {  	s8 =	sadd.s32 s14, s8;
	s21 =	sadd.s32 s2, s21;
	s2 =	sadd.s32 s4, s15  }
0x46: {  	s24 =	sand.u32 $0x2000, s16;
	s14 =	sand.u32 $0x2000, s0;
	s2 =	sadd.s32 s23, s2  }
0x47: {  	s0 =	sand.u32 $0x1E00, s0;
	[dreg:$0x5] =	wrdreg s2;
	s2 =	sadd.s32 s27, s15  }
0x48: {  	s22 =	sadd.s32 s24, s15;
	v2 =	vld.idx.msk [tilespmem:v1+s12+$0x60 ss:$0x1], $0xffff;
	s24 =	sadd.s32 s19, s2;
	s2 =	sadd.s32 s14, s15  }
0x49: {  	s20 =	simm.s32 $0x3A0;
	s16 =	sand.u32 $0x1E00, s16;
	v3 =	vld.idx.msk [tilespmem:v0+s3+$0x0 ss:$0x1], $0xffff;
	s0 =	sadd.s32 s0, s2  }
0x4a: {  	s16 =	sadd.s32 s16, s22;
	s27 =	sand.u32 $0x2000, s11;
	v4 =	vld.idx.msk [tilespmem:v0+s3+$0x100 ss:$0x1], $0xffff;
	[dreg:$0x7] =	wrdreg s0  }
0x4b: {  	s23 =	sand.u32 $0x2000, s9;
	s12 =	sadd.s32 s27, s15;
	s19 =	sand.u32 $0x1F00, s11;
	v5 =	vld.idx.msk [tilespmem:v0+s3+$0x200 ss:$0x1], $0xffff  }
0x4c: {  	s9 =	sand.u32 $0x1E00, s9;
	s4 =	sadd.s32 s23, s15;
	s2 =	sadd.s32 s19, s12;
	v6 =	vld.idx.msk [tilespmem:v0+s3+$0x300 ss:$0x1], $0xffff  }
0x4d: {  	s23 =	sand.u32 $0x2000, s29;
	s29 =	sand.u32 $0x1F00, s29;
	v7 =	vld.idx.msk [tilespmem:v1+s1+$0x10 ss:$0x1], $0xffff;
	[dreg:$0x4] =	wrdreg s2  }
0x4e: {  	s14 =	sand.u32 $0x2000, s25;
	s22 =	sadd.s32 s9, s4;
	s4 =	sand.u32 $0x2000, s30;
	v8 =	vld.idx.msk [tilespmem:v1+s1+$0x20 ss:$0x1], $0xffff;
	[tilespmem:s18+$0x3C0 ss:$0x2] =	vst.msk $0xffff, v2  }
0x4f: {  	s27 =	sand.u32 $0x1F00, s25;
	s9 =	sadd.s32 s23, s15;
	s11 =	sand.u32 $0x2000, s20;
	[tilespmem:s18+$0x0 ss:$0x2] =	vst.msk $0xffff, v3;
	v2 =	vld.idx.msk [tilespmem:v1+s1+$0x30 ss:$0x1], $0xffff  }
0x50: {  	s19 =	sadd.s32 s29, s9;
	s25 =	sadd.s32 s4, s15;
	s29 =	sand.u32 $0x1F00, s20;
	[tilespmem:s18+$0x100 ss:$0x2] =	vst.msk $0xffff, v4;
	v3 =	vld.idx.msk [tilespmem:v1+s1+$0x40 ss:$0x1], $0xffff  }
0x51: {  	s20 =	simm.s32 $0x7E0;
	s0 =	sadd.s32 s14, s15;
	s14 =	sand.u32 $0x2000, s28;
	v4 =	vld.idx.msk [tilespmem:v1+s1+$0x50 ss:$0x1], $0xffff;
	[tilespmem:s18+$0x200 ss:$0x2] =	vst.msk $0xffff, v5  }
0x52: {  	s23 =	sadd.s32 s27, s0;
	s0 =	sadd.s32 s11, s15;
	s27 =	sand.u32 $0x1F00, s30;
	[tilespmem:s18+$0x300 ss:$0x2] =	vst.msk $0xffff, v6;
	v6 =	vld.idx.msk [tilespmem:v1+s1+$0x60 ss:$0x1], $0xffff  }
0x53: {  	s30 =	sand.u32 $0x1F00, s28;
	s2 =	sadd.s32 s14, s15;
	s12 =	sadd.s32 s27, s25;
	v5 =	vld.idx.msk [tilespmem:v1+s1+$0x70 ss:$0x1], $0xffff;
	[tilespmem:s18+$0x20 ss:$0x2] =	vst.msk $0xffff, v7  }
0x54: {  	s9 =	sadd.s32 s29, s0;
	s0 =	sadd.s32 s30, s2;
	s1 =	simm.s32 $0x0;
	v7 =	vld.idx.msk [tilespmem:v1+s10+$0x10 ss:$0x1], $0xffff;
	[tilespmem:s18+$0x40 ss:$0x2] =	vst.msk $0xffff, v8  }
.LBB1_4:
0x55: {  	[smem:$0x7E5] =	sst s23  }
0x56: {  	[smem:$0x7E6] =	sst s19  }
0x57: {  	[dreg:$0xa] =	wrdreg s12  }
0x58: {  	[dreg:$0x9] =	wrdreg s9  }
0x59: {  	[dreg:$0x8] =	wrdreg s0  }
0x5a: {  	s4 =	sadd.s32 $0xFFFFFC20, s20;
	s11 =	rddreg [dreg:$0x3]  }
0x5b: {  	s1 =	sadd.s32 $0x200, s1;
	[dreg:$0xb] =	wrdreg s4  }
0x5c: {  	s10 =	sadd.s32 $0xFFFFFD40, s20;
	[dreg:$0x6] =	wrdreg s1  }
0x5d: {  	s9 =	sadd.s32 $0xFFFFFD60, s20;
	[dreg:$0x15] =	wrdreg s10  }
0x5e: {  	s12 =	sadd.s32 $0xFFFFFD80, s20;
	[dreg:$0xc] =	wrdreg s9  }
0x5f: {  	s25 =	sadd.s32 $0xFFFFFDA0, s20;
	[dreg:$0xd] =	wrdreg s12  }
0x60: {  	s19 =	sadd.s32 $0xFFFFFE00, s20;
	[dreg:$0x13] =	wrdreg s25  }
0x61: {  	s2 =	sadd.s32 $0xFFFFFFE0, s20;
	s27 =	sadd.s32 $0xFFFFFE60, s20;
	[dreg:$0x16] =	wrdreg s19  }
0x62: {  	s30 =	sadd.s32 $0xFFFFFEC0, s20;
	s14 =	sadd.s32 $0xFFFFFF40, s20;
	[dreg:$0x11] =	wrdreg s27  }
0x63: {  	s3 =	sand.u32 $0x2000, s2;
	p2 =	slt.u32 s1, $0x1E00;
	[dreg:$0x12] =	wrdreg s30  }
0x64: {  	s0 =	sand.u32 $0x1F00, s2;
	[dreg:$0x14] =	wrdreg s14;
	s1 =	sadd.s32 $0x400, s11  }
0x65: {  	s10 =	sand.u32 $0x2000, s10;
	s11 =	sand.u32 $0x2000, s9;
	s12 =	sand.u32 $0x2000, s12  }
0x66: {  	s2 =	sadd.s32 s3, s15;
	[dreg:$0x3] =	wrdreg s1;
	s10 =	sadd.s32 s10, s15  }
0x67: {  	s0 =	sadd.s32 s0, s2;
	s2 =	sadd.s32 $0xFFFFFDC0, s20;
	[dreg:$0x1a] =	wrdreg s10  }
0x68: {  	s10 =	sadd.s32 s11, s15;
	s11 =	sadd.s32 s12, s15;
	s12 =	rddreg [dreg:$0xa]  }
0x69: {  	[dreg:$0xe] =	wrdreg s2  }
0x6a: {  	[tilespmem:s18+$0xE0 ss:$0x2] =	vst.msk $0xffff, v5;
	v5 =	vld.idx.msk [tilespmem:v1+s26+$0x60 ss:$0x1], $0xffff;
	s26 =	rddreg [dreg:$0x5]  }
0x6b: {  	[dreg:$0x1b] =	wrdreg s10  }
0x6c: {  	[tilespmem:s18+$0x60 ss:$0x2] =	vst.msk $0xffff, v2;
	v2 =	vld.idx.msk [tilespmem:v1+s5+$0x20 ss:$0x1], $0xffff;
	[dreg:$0x1c] =	wrdreg s11  }
0x6d: {  	[tilespmem:s18+$0xC0 ss:$0x2] =	vst.msk $0xffff, v6;
	v6 =	vld.idx.msk [tilespmem:v1+s7+$0x50 ss:$0x1], $0xffff;
	s7 =	sadd.s32 $0xFFFFFDE0, s20;
	s10 =	rddreg [dreg:$0x9]  }
0x6e: {  	[tilespmem:s18+$0xA0 ss:$0x2] =	vst.msk $0xffff, v4;
	v4 =	vld.idx.msk [tilespmem:v1+s13+$0x40 ss:$0x1], $0xffff;
	s13 =	sadd.s32 $0xFFFFFE40, s20;
	[dreg:$0xf] =	wrdreg s7  }
0x6f: {  	v8 =	vld.idx.msk [tilespmem:v1+s0+$0x60 ss:$0x1], $0xffff;
	s5 =	sadd.s32 $0xFFFFFF80, s20;
	s0 =	sand.u32 $0x2000, s4;
	[dreg:$0x10] =	wrdreg s13  }
0x70: {  	[tilespmem:s18+$0x120 ss:$0x2] =	vst.msk $0xffff, v7;
	v7 =	vld.idx.msk [tilespmem:v1+s16+$0x40 ss:$0x1], $0xffff;
	s16 =	sand.u32 $0x2000, s25;
	s4 =	sand.u32 $0x2000, s2;
	[dreg:$0x17] =	wrdreg s5  }
0x71: {  	s9 =	sand.u32 $0x2000, s13;
	s13 =	sand.u32 $0x2000, s27;
	s27 =	rddreg [dreg:$0x7]  }
0x72: {  	s2 =	sand.u32 $0x2000, s7;
	s7 =	rddreg [dreg:$0x4];
	s0 =	sadd.s32 s0, s15  }
0x73: {  	s16 =	sadd.s32 s16, s15;
	[dreg:$0x18] =	wrdreg s0  }
0x74: {  	s25 =	sand.u32 $0x2000, s19;
	s4 =	sadd.s32 s4, s15;
	[dreg:$0x1d] =	wrdreg s16  }
0x75: {  	s11 =	sadd.s32 s25, s15;
	[dreg:$0x1e] =	wrdreg s4  }
0x76: {  	[smem:$0x7E7] =	sst s11  }
0x77: {  	[tilespmem:s18+$0x80 ss:$0x2] =	vst.msk $0xffff, v3;
	v3 =	vld.idx.msk [tilespmem:v1+s17+$0x30 ss:$0x1], $0xffff;
	s2 =	sadd.s32 s2, s15;
	s16 =	rddreg [dreg:$0x8]  }
0x78: {  	s13 =	sadd.s32 s13, s15;
	[dreg:$0x1f] =	wrdreg s2  }
0x79: {  	s23 =	sadd.s32 $0xFFFFFEE0, s20;
	[smem:$0x7E9] =	sst s13  }
0x7a: {  	s19 =	sand.u32 $0x2000, s23;
	s13 =	rddreg [dreg:$0x15]  }
0x7b: {  	s2 =	sadd.s32 s19, s15;
	s19 =	rddreg [dreg:$0xd]  }
0x7c: {  	s29 =	smov.u32 s22;
	s22 =	sadd.s32 $0xFFFFFE80, s20;
	[smem:$0x7ED] =	sst s2;
	[tilespmem:s18+$0x160 ss:$0x2] =	vst.msk $0xffff, v3;
	v3 =	vld.idx.msk [tilespmem:v1+s21+$0x10 ss:$0x1], $0xffff  }
0x7d: {  	s3 =	smov.u32 s8;
	s21 =	rddreg [dreg:$0x2];
	[tilespmem:s18+$0x1C0 ss:$0x2] =	vst.msk $0xffff, v5;
	v5 =	vld.idx.msk [tilespmem:v1+s24+$0x50 ss:$0x1], $0xffff;
	s24 =	sand.u32 $0x2000, s22  }
0x7e: {  	[tilespmem:s18+$0x1A0 ss:$0x2] =	vst.msk $0xffff, v6;
	v6 =	vld.idx.msk [tilespmem:v1+s26+$0x30 ss:$0x1], $0xffff;
	s26 =	sand.u32 $0x2000, s30;
	s25 =	sadd.s32 s24, s15;
	s24 =	rddreg [dreg:$0x13]  }
0x7f: {  	s28 =	sadd.s32 $0xFFFFFEA0, s20;
	[tilespmem:s18+$0x180 ss:$0x2] =	vst.msk $0xffff, v4;
	v4 =	vld.idx.msk [tilespmem:v1+s3+$0x20 ss:$0x1], $0xffff;
	s26 =	sadd.s32 s26, s15;
	[smem:$0x7EA] =	sst s25  }
0x80: {  	s8 =	sadd.s32 $0xFFFFFF60, s20;
	s17 =	sadd.s32 $0xFFFFFFA0, s20;
	[smem:$0x7EC] =	sst s26  }
0x81: {  	[tilespmem:s18+$0x140 ss:$0x2] =	vst.msk $0xffff, v2;
	v2 =	vld.idx.msk [tilespmem:v1+s6+$0x70 ss:$0x1], $0xffff;
	s3 =	sadd.s32 s21, s1;
	s1 =	sand.u32 $0x2000, s28;
	s25 =	rddreg [dreg:$0xe]  }
0x82: {  	s6 =	sadd.s32 $0xFFFFFF00, s20;
	s1 =	sadd.s32 s1, s15;
	s26 =	rddreg [dreg:$0xf]  }
0x83: {  	s30 =	sand.u32 $0x2000, s14;
	s21 =	sadd.s32 $0xFFFFFFC0, s20;
	[smem:$0x7EB] =	sst s1  }
0x84: {  	s0 =	sand.u32 $0x2000, s21;
	s1 =	sand.u32 $0x1F00, s21;
	s21 =	rddreg [dreg:$0x1b];
	[tilespmem:s18+$0x240 ss:$0x2] =	vst.msk $0xffff, v4;
	v4 =	vld.idx.msk [tilespmem:v1+s7+$0x10 ss:$0x1], $0xffff  }
0x85: {  	s7 =	sand.u32 $0x2000, s5;
	s5 =	sld [smem:$0x7E5];
	[tilespmem:s18+$0x2A0 ss:$0x2] =	vst.msk $0xffff, v5;
	v5 =	vld.idx.msk [tilespmem:v1+s12+$0x40 ss:$0x1], $0xffff;
	s12 =	sadd.s32 s9, s15  }
0x86: {  	s14 =	smov.u32 s8;
	[tilespmem:s18+$0x1E0 ss:$0x2] =	vst.msk $0xffff, v2;
	v2 =	vld.idx.msk [tilespmem:v1+s27+$0x60 ss:$0x1], $0xffff;
	s27 =	smov.u32 s22;
	[smem:$0x7E8] =	sst s12  }
0x87: {  	[tilespmem:s18+$0x220 ss:$0x2] =	vst.msk $0xffff, v3;
	v3 =	vld.idx.msk [tilespmem:v1+s29+$0x70 ss:$0x1], $0xffff;
	s29 =	sand.u32 $0x2000, s6;
	s22 =	smov.u32 s6;
	s12 =	rddreg [dreg:$0xb]  }
0x88: {  	s6 =	sand.u32 $0x2000, s8;
	s4 =	sadd.s32 s29, s15;
	s29 =	rddreg [dreg:$0x16]  }
0x89: {  	s8 =	sand.u32 $0x2000, s17;
	s9 =	sadd.s32 s6, s15;
	[smem:$0x7EE] =	sst s4  }
0x8a: {  	s11 =	sadd.s32 s8, s15;
	[smem:$0x7F0] =	sst s9  }
0x8b: {  	[smem:$0x7F2] =	sst s11  }
0x8c: {  	s11 =	rddreg [dreg:$0x12]  }
0x8d: {  	s2 =	sand.u32 $0x1C00, s12;
	s12 =	rddreg [dreg:$0x14]  }
0x8e: {  	s8 =	sand.u32 $0x1D00, s25;
	s4 =	sand.u32 $0x1D00, s13;
	s13 =	rddreg [dreg:$0x17]  }
0x8f: {  	s9 =	sadd.s32 s0, s15;
	s25 =	sand.u32 $0x1F00, s13;
	s13 =	rddreg [dreg:$0x1c]  }
0x90: {  	[tilespmem:s18+$0x260 ss:$0x2] =	vst.msk $0xffff, v6;
	v6 =	vld.idx.msk [tilespmem:v1+s5+$0x20 ss:$0x1], $0xffff;
	s5 =	sand.u32 $0x2000, s20;
	s9 =	sadd.s32 s1, s9;
	s1 =	rddreg [dreg:$0x6]  }
0x91: {  	[dreg:$0x19] =	wrdreg s5  }
0x92: {  	s5 =	sld [smem:$0x7E6];
	[tilespmem:s18+$0x2C0 ss:$0x2] =	vst.msk $0xffff, v2;
	v2 =	vld.idx.msk [tilespmem:v1+s10+$0x50 ss:$0x1], $0xffff  }
0x93: {  	[tilespmem:s18+$0x2E0 ss:$0x2] =	vst.msk $0xffff, v3;
	v3 =	vld.idx.msk [tilespmem:v1+s16+$0x70 ss:$0x1], $0xffff;
	s10 =	sadd.s32 s7, s15;
	s16 =	rddreg [dreg:$0xc]  }
0x94: {  	s7 =	sand.u32 $0x1D00, s24;
	s24 =	sand.u32 $0x1F00, s14;
	s14 =	rddreg [dreg:$0x18]  }
0x95: {  	[tilespmem:s18+$0x280 ss:$0x2] =	vst.msk $0xffff, v7;
	[smem:$0x7F1] =	sst s10  }
0x96: {  	[tilespmem:s18+$0x320 ss:$0x2] =	vst.msk $0xffff, v4;
	s10 =	rddreg [dreg:$0x11];
	v7 =	vld.idx.msk [tilespmem:v1+s5+$0x30 ss:$0x1], $0xffff  }
0x97: {  	[tilespmem:s18+$0x380 ss:$0x2] =	vst.msk $0xffff, v5;
	s2 =	sadd.s32 s2, s14;
	s14 =	rddreg [dreg:$0x1d]  }
0x98: {  	s5 =	sadd.s32 s30, s15;
	s30 =	rddreg [dreg:$0x10];
	[tilespmem:s18+$0x340 ss:$0x2] =	vst.msk $0xffff, v6  }
0x99: {  	s6 =	sand.u32 $0x1D00, s19;
	s0 =	sand.u32 $0x1D00, s29;
	[smem:$0x7EF] =	sst s5;
	[tilespmem:s18+$0x3A0 ss:$0x2] =	vst.msk $0xffff, v2  }
0x9a: {  	s29 =	sand.u32 $0x1E00, s11;
	s5 =	sand.u32 $0x1D00, s16;
	s16 =	rddreg [dreg:$0x19];
	[tilespmem:s18+$0x3E0 ss:$0x2] =	vst.msk $0xffff, v3  }
0x9b: {  	s11 =	sadd.s32 s16, s15;
	[tilespmem:s18+$0x360 ss:$0x2] =	vst.msk $0xffff, v7;
	s18 =	sand.u32 $0x1E00, s30;
	s30 =	sand.u32 $0x1E00, s23  }
0x9c: {  	s23 =	sand.u32 $0x1F00, s12;
	s12 =	sand.u32 $0x1F00, s17;
	s17 =	rddreg [dreg:$0x1a]  }
0x9d: {  	s5 =	sadd.s32 s5, s21;
	s21 =	rddreg [dreg:$0x1e];
	s16 =	sadd.s32 s4, s17  }
0x9e: {  	s17 =	sadd.s32 s6, s13;
	s13 =	sadd.s32 s7, s14;
	s14 =	sld [smem:$0x7E8]  }
0x9f: {  	s6 =	rddreg [dreg:$0x1f]  }
0xa0: {  	s7 =	sadd.s32 s8, s21;
	s8 =	sld [smem:$0x7E7]  }
0xa1: {  	s21 =	sadd.s32 s18, s14;
	s18 =	sld [smem:$0x7E9]  }
0xa2: {  	s26 =	sand.u32 $0x1D00, s26;
	s4 =	sld [smem:$0x7EC]  }
0xa3: {  	[tilespmem:s3+$0x3C0 ss:$0x2] =	vst.msk $0xffff, v8;
	v8 =	vld.idx.msk [tilespmem:v0+s31+$0x0 ss:$0x1], $0xffff;
	s19 =	sand.u32 $0x1E00, s10;
	s26 =	sadd.s32 s26, s6;
	s14 =	sld [smem:$0x7ED]  }
0xa4: {  	v7 =	vld.idx.msk [tilespmem:v0+s31+$0x300 ss:$0x1], $0xffff;
	s6 =	sadd.s32 s0, s8;
	s8 =	sadd.s32 s19, s18;
	s19 =	sld [smem:$0x7EA]  }
0xa5: {  	v4 =	vld.idx.msk [tilespmem:v0+s31+$0x100 ss:$0x1], $0xffff;
	s4 =	sadd.s32 s29, s4;
	s29 =	sld [smem:$0x7F1]  }
0xa6: {  	s28 =	sand.u32 $0x1E00, s28;
	s27 =	sand.u32 $0x1E00, s27;
	v5 =	vld.idx.msk [tilespmem:v1+s2+$0x10 ss:$0x1], $0xffff;
	s18 =	sld [smem:$0x7EE]  }
0xa7: {  	s22 =	sand.u32 $0x1E00, s22;
	v6 =	vld.idx.msk [tilespmem:v0+s31+$0x200 ss:$0x1], $0xffff;
	s0 =	sadd.s32 s27, s19;
	s27 =	sld [smem:$0x7EB]  }
0xa8: {  	s10 =	sand.u32 $0x1F00, s20;
	s20 =	sadd.s32 $0x400, s20;
	v2 =	vld.idx.msk [tilespmem:v1+s2+$0x30 ss:$0x1], $0xffff;
	s19 =	sld [smem:$0x7EF]  }
0xa9: {  	s31 =	sadd.s32 $0x400, s31;
	[tilespmem:s3+$0x300 ss:$0x2] =	vst.msk $0xffff, v7;
	v7 =	vld.idx.msk [tilespmem:v1+s2+$0x20 ss:$0x1], $0xffff;
	s22 =	sadd.s32 s22, s18;
	[dreg:$0x5] =	wrdreg s0  }
.Ltmp3:
0xaa: {  	[tilespmem:s3+$0x0 ss:$0x2] =	vst.msk $0xffff, v8;
	v3 =	vld.idx.msk [tilespmem:v1+s2+$0x40 ss:$0x1], $0xffff;
	s0 =	sadd.s32 s30, s14;
	s30 =	sld [smem:$0x7F2];
	(pc) =	sbr.rel @p2 .LBB1_4-.Ltmp3, $4  }
0xab: {  	[tilespmem:s3+$0x100 ss:$0x2] =	vst.msk $0xffff, v4;
	v4 =	vld.idx.msk [tilespmem:v1+s2+$0x50 ss:$0x1], $0xffff;
	s18 =	smov.u32 s3;
	s27 =	sadd.s32 s28, s27;
	s28 =	sld [smem:$0x7F0]  }
0xac: {  	[tilespmem:s3+$0x20 ss:$0x2] =	vst.msk $0xffff, v5;
	v5 =	vld.idx.msk [tilespmem:v1+s2+$0x70 ss:$0x1], $0xffff;
	[dreg:$0x7] =	wrdreg s0;
	s0 =	sadd.s32 s23, s19;
	s19 =	sadd.s32 s25, s29  }
0xad: {  	[tilespmem:s3+$0x200 ss:$0x2] =	vst.msk $0xffff, v6;
	v6 =	vld.idx.msk [tilespmem:v1+s2+$0x60 ss:$0x1], $0xffff;
	[dreg:$0x4] =	wrdreg s0;
	s12 =	sadd.s32 s12, s30;
	s0 =	sadd.s32 s10, s11  }
0xae: {  	[tilespmem:s18+$0x40 ss:$0x2] =	vst.msk $0xffff, v7;
	v7 =	vld.idx.msk [tilespmem:v1+s16+$0x10 ss:$0x1], $0xffff;
	s16 =	smov.u32 s27;
	s23 =	sadd.s32 s24, s28;
	s24 =	smov.u32 s4  }
0xaf: {  	_ =	sdelay $0x2  }
0xb0: {  	[tilespmem:s18+$0x60 ss:$0x2] =	vst.msk $0xffff, v2  }
0xb1: {  	v2 =	vld.idx.msk [tilespmem:v1+s5+$0x20 ss:$0x1], $0xffff;
	[tilespmem:s18+$0x80 ss:$0x2] =	vst.msk $0xffff, v3  }
0xb2: {  	v3 =	vld.idx.msk [tilespmem:v1+s17+$0x30 ss:$0x1], $0xffff;
	[tilespmem:s18+$0xA0 ss:$0x2] =	vst.msk $0xffff, v4  }
0xb3: {  	v53 =	vld.idx.msk [tilespmem:v1+s13+$0x40 ss:$0x1], $0xffff;
	[tilespmem:s18+$0xE0 ss:$0x2] =	vst.msk $0xffff, v5  }
0xb4: {  	v54 =	vld.idx.msk [tilespmem:v1+s7+$0x50 ss:$0x1], $0xffff;
	[tilespmem:s18+$0xC0 ss:$0x2] =	vst.msk $0xffff, v6  }
0xb5: {  	[tilespmem:s18+$0x120 ss:$0x2] =	vst.msk $0xffff, v7  }
0xb6: {  	[tilespmem:s18+$0x140 ss:$0x2] =	vst.msk $0xffff, v2  }
0xb7: {  	v55 =	vld.idx.msk [tilespmem:v1+s26+$0x60 ss:$0x1], $0xffff;
	[tilespmem:s18+$0x160 ss:$0x2] =	vst.msk $0xffff, v3  }
0xb8: {  	v2 =	vld.idx.msk [tilespmem:v1+s6+$0x70 ss:$0x1], $0xffff;
	[tilespmem:s18+$0x180 ss:$0x2] =	vst.msk $0xffff, v53  }
0xb9: {  	v3 =	vld.idx.msk [tilespmem:v1+s21+$0x10 ss:$0x1], $0xffff;
	[tilespmem:s18+$0x1A0 ss:$0x2] =	vst.msk $0xffff, v54  }
0xba: {  	v56 =	vld.idx.msk [tilespmem:v1+s8+$0x20 ss:$0x1], $0xffff;
	s1 =	rddreg [dreg:$0x5]  }
0xbb: {  	v57 =	vld.idx.msk [tilespmem:v1+s1+$0x30 ss:$0x1], $0xffff  }
0xbc: {  	v58 =	vld.idx.msk [tilespmem:v1+s16+$0x40 ss:$0x1], $0xffff;
	[tilespmem:s18+$0x1C0 ss:$0x2] =	vst.msk $0xffff, v55  }
0xbd: {  	v59 =	vld.idx.msk [tilespmem:v1+s24+$0x50 ss:$0x1], $0xffff;
	[tilespmem:s18+$0x1E0 ss:$0x2] =	vst.msk $0xffff, v2  }
0xbe: {  	v61 =	vld.idx.msk [tilespmem:v1+s23+$0x20 ss:$0x1], $0xffff;
	s30 =	rddreg [dreg:$0x7];
	[tilespmem:s18+$0x220 ss:$0x2] =	vst.msk $0xffff, v3  }
0xbf: {  	[tilespmem:s18+$0x240 ss:$0x2] =	vst.msk $0xffff, v56;
	v2 =	vld.idx.msk [tilespmem:v1+s30+$0x60 ss:$0x1], $0xffff  }
0xc0: {  	v62 =	vld.idx.msk [tilespmem:v1+s19+$0x30 ss:$0x1], $0xffff;
	s31 =	rddreg [dreg:$0x4];
	[tilespmem:s18+$0x260 ss:$0x2] =	vst.msk $0xffff, v57  }
0xc1: {  	v63 =	vld.idx.msk [tilespmem:v1+s12+$0x40 ss:$0x1], $0xffff;
	[tilespmem:s18+$0x280 ss:$0x2] =	vst.msk $0xffff, v58  }
0xc2: {  	v3 =	vld.idx.msk [tilespmem:v1+s22+$0x70 ss:$0x1], $0xffff;
	[tilespmem:s18+$0x2A0 ss:$0x2] =	vst.msk $0xffff, v59  }
0xc3: {  	[tilespmem:s18+$0x340 ss:$0x2] =	vst.msk $0xffff, v61;
	v60 =	vld.idx.msk [tilespmem:v1+s31+$0x10 ss:$0x1], $0xffff  }
0xc4: {  	[tilespmem:s18+$0x2C0 ss:$0x2] =	vst.msk $0xffff, v2;
	v2 =	vld.idx.msk [tilespmem:v1+s9+$0x50 ss:$0x1], $0xffff  }
0xc5: {  	[tilespmem:s18+$0x360 ss:$0x2] =	vst.msk $0xffff, v62;
	v1 =	vld.idx.msk [tilespmem:v1+s0+$0x70 ss:$0x1], $0xffff  }
0xc6: {  	[tilespmem:s18+$0x380 ss:$0x2] =	vst.msk $0xffff, v63  }
.Ltmp4:
0xc7: {  	[tilespmem:s18+$0x2E0 ss:$0x2] =	vst.msk $0xffff, v3;
	(pc) =	sbr.rel @p1 .LBB1_3-.Ltmp4, $4  }
0xc8: {  	[tilespmem:s18+$0x320 ss:$0x2] =	vst.msk $0xffff, v60  }
0xc9: {  	[tilespmem:s18+$0x3A0 ss:$0x2] =	vst.msk $0xffff, v2  }
0xca: {  	[tilespmem:s18+$0x3E0 ss:$0x2] =	vst.msk $0xffff, v1  }
0xcb: {  	p2 =	por $0x0, $0x0;
	s0 =	simm.s32 $0x1;
	s10 =	rddreg [dreg:$0x2]  }
0xcc: {  	s0 =	sld [smem:$0x7F3]  }
0xcd: {  	s3 =	sld [smem:$0x7F4]  }
0xce: {  	s28 =	sld [smem:$0x7F9]  }
0xcf: {  	s31 =	sld [smem:$0x7F8]  }
0xd0: {  	s4 =	sld [smem:$0x7FA]  }
0xd1: {  	s5 =	sld [smem:$0x7FB]  }
0xd2: {  	s30 =	simm.s32 $0x80;
	s6 =	sld [smem:$0x7FC]  }
0xd3: {  	s7 =	sld [smem:$0x7FD];
	s0 =	sshll.u32 s0, $0x7;
	s1 =	sshll.u32 s3, $0x3  }
0xd4: {  	s8 =	sld [smem:$0x7F6];
	s2 =	sand.u32 $0x3FFFFC00, s0;
	s1 =	sand.u32 $0x3FFFFC00, s1  }
0xd5: {  	s9 =	sld [smem:$0x7F5];
	s0 =	sand.u32 $0x380, s0;
	s1 =	sadd.s32 s1, s2  }
.Ltmp5:
0xd6: {  	s26 =	sshrl.u32 s3, $0x3;
	s0 =	sor.u32 s0, s1;
	(pc) =	sbr.rel .LBB1_7-.Ltmp5, $4  }
0xd7: {  	s27 =	sand.u32 $0x7, s3;
	s1 =	sand.u32 $0xF, s26;
	s0 =	sshrl.u32 s0, $0x3  }
0xd8: {  	s2 =	sshll.u32 s27, $0x12;
	s1 =	sadd.s32 s28, s1;
	s0 =	sand.u32 $0x7FFFFF0, s0  }
0xd9: {  	s10 =	sld [smem:$0x7F7];
	s29 =	sor.u32 $0x2, s2;
	s0 =	sadd.s32 s0, s1  }
0xda: {  	[hbm4b:s0+s29] =	stream.strided.scatter [tilespmem:s31], [sflag:$0x2], $0x4000, s30, s29, $0x38;
	[tilespmem:$0x10000] =	vst v63  }
.LBB1_8:
0xdb: {  	_ =	sfence.sel $0x180000  }
0xdc: {  	s0 =	simm.s32 $0x1;
	[bflag:$0x0] =	sbarrier.arrive $0xFFFF  }
0xdd: {  	s30 =	simm.s32 $0x2;
	[sflag:s0] =	ssyncpa.u1 $0x1  }
0xde: {  	[sflag:s30] =	ssyncpa.u1 $0x1  }
0xdf: {  	_ =	strace $0x90000047  }
0xe0: {  	s31 =	stileid.u32;
	[bflag:$0x2] =	sbarrier.arrive $0xFFFF  }
0xe1: {  	p0 =	sne.s32 s31, $0x0;
	s0 =	rddreg [dreg:$0x1]  }
0xe2: {  	s0 =	sadd.s32 @!p0 $0x100000, s0  }
0xe3: {  	[sflag:s0] =	ssyncadd.tile.s32 @!p0 $0x1;
	_ =	shalt  }
.Lfunc_end1:
_tile_overlayer_lowered:
.L_overlay_start_2:
0xe4: {  	(tag) =	ssettag $0x2  }
0xe5: {  	s0 =	rddreg [dreg:$0x0];
	s2 =	stileid.u32  }
0xe6: {  	s1 =	rddreg [dreg:$0x1];
	p0 =	sne.s32 s2, $0x0  }
0xe7: {  	s3 =	rddreg [dreg:$0x2];
	[bflag:$0x3] =	sbarrier.arrive $0xFFFF;
	s2 =	simm.s32 @!p0 $0x1C01  }
0xe8: {  	[timem:s3], [sflag:s2] =	dma.local @!p0 [hbm:s0], s1  }
0xe9: {  	s0 =	simm.s32 @!p0 $0x1  }
0xea: {  	_ =	swait.ge @!p0 [sflag:s0], s1  }
0xeb: {  	s1 =	ssub.s32 @!p0 $0x0, s1;
	[sflag:s0] =	ssyncset.done @!p0 $0x0  }
0xec: {  	[sflag:s0] =	ssyncadd.s32 @!p0 s1  }
0xed: {  	[bflag:$0x3] =	sbarrier.arrive $0xFFFF  }
0xee: {  	_ =	shalt  }

</sc_bundles>
